<compile_context>
chip_gen: v7x
topology: tpu7x:2x2x1
jax: 0.10.2.dev20260603
libtpu: 0.0.44.dev20260713+nightly
codegen_flags: <defaults>
</compile_context>

<pallas_src>
import functools

import jax
import jax.numpy as jnp
from jax import lax
from jax.experimental import pallas as pl
from jax.experimental.pallas import tpu as pltpu
from jax.experimental.pallas import tpu_sc as plsc

VOCAB = 100000
D = 64
ROWS_PER_BLOCK = 10000

NC = 2
NS = 16
NW = NC * NS
CHUNK = 128
NBUF = 8
LOOK = 4


def _fused_table_body(ph_ref, su_idx_ref, po_idx_ref, su_tab_ref, po_tab_ref,
                      w_ref, b_ref, out_ref):
    wph = w_ref[0:64, :]
    wsu = w_ref[64:128, :]
    wpo = w_ref[128:192, :]
    sp = jnp.dot(su_tab_ref[...], wsu, preferred_element_type=jnp.float32)
    pp = jnp.dot(po_tab_ref[...], wpo, preferred_element_type=jnp.float32)
    su_idx = su_idx_ref[0, 0, :]
    po_idx = po_idx_ref[0, 0, :]
    lanes = lax.broadcasted_iota(jnp.int32, (ROWS_PER_BLOCK, 16), 1)
    su_oh = (su_idx[:, None] == lanes).astype(jnp.float32)
    po_oh = (po_idx[:, None] == lanes).astype(jnp.float32)
    acc = jnp.dot(ph_ref[...], wph, preferred_element_type=jnp.float32)
    acc += jnp.dot(su_oh, sp, preferred_element_type=jnp.float32)
    acc += jnp.dot(po_oh, pp, preferred_element_type=jnp.float32)
    out_ref[...] = acc + b_ref[...]


def _build_fused_table(phoneme_table, sutra_table, position_table,
                       sutra_lookup, position_lookup, proj_w, proj_b):
    nblk = VOCAB // ROWS_PER_BLOCK
    su_idx = sutra_lookup.astype(jnp.int32).reshape(nblk, 1, ROWS_PER_BLOCK)
    po_idx = position_lookup.astype(jnp.int32).reshape(nblk, 1, ROWS_PER_BLOCK)
    su_tab = jnp.zeros((16, D), jnp.float32).at[:15].set(sutra_table)
    po_tab = jnp.zeros((16, D), jnp.float32).at[:11].set(position_table)
    return pl.pallas_call(
        _fused_table_body,
        grid=(nblk,),
        in_specs=[
            pl.BlockSpec((ROWS_PER_BLOCK, D), lambda i: (i, 0)),
            pl.BlockSpec((1, 1, ROWS_PER_BLOCK), lambda i: (i, 0, 0)),
            pl.BlockSpec((1, 1, ROWS_PER_BLOCK), lambda i: (i, 0, 0)),
            pl.BlockSpec((16, D), lambda i: (0, 0)),
            pl.BlockSpec((16, D), lambda i: (0, 0)),
            pl.BlockSpec((192, D), lambda i: (0, 0)),
            pl.BlockSpec((1, D), lambda i: (0, 0)),
        ],
        out_specs=pl.BlockSpec((ROWS_PER_BLOCK, D), lambda i: (i, 0)),
        out_shape=jax.ShapeDtypeStruct((VOCAB, D), jnp.float32),
    )(phoneme_table, su_idx, po_idx, su_tab, po_tab, proj_w,
      proj_b.reshape(1, D))


def _sc_gather(table, idx3, batch):
    b_per_w = batch // NW
    nchunk = b_per_w // CHUNK
    nround = nchunk // NBUF
    mesh = plsc.VectorSubcoreMesh(core_axis_name="c", subcore_axis_name="s",
                                  num_cores=NC, num_subcores=NS)

    @functools.partial(
        pl.kernel,
        mesh=mesh,
        compiler_params=pltpu.CompilerParams(use_tc_tiling_on_sc=False),
        out_type=jax.ShapeDtypeStruct((batch, D), jnp.float32),
        scratch_types=(
            [pltpu.VMEM((nchunk, CHUNK), jnp.int32)]
            + [pltpu.VMEM((CHUNK, D), jnp.float32) for _ in range(NBUF)]
            + [pltpu.SemaphoreType.DMA for _ in range(2 * NBUF)]
        ),
    )
    def gather_kernel(table_hbm, idx_hbm, out_hbm, idx_v, *bufs_and_sems):
        rows = bufs_and_sems[:NBUF]
        gsem = bufs_and_sems[NBUF:2 * NBUF]
        osem = bufs_and_sems[2 * NBUF:]
        wid = lax.axis_index("s") * NC + lax.axis_index("c")
        base = wid * b_per_w

        pltpu.sync_copy(idx_hbm.at[wid], idx_v)

        def start_gather(c, p):
            pltpu.async_copy(table_hbm.at[idx_v.at[c]], rows[p], gsem[p])

        def wait_gather(p):
            pltpu.make_async_copy(table_hbm.at[idx_v.at[0]], rows[p],
                                  gsem[p]).wait()

        def start_out(c, p):
            pltpu.async_copy(rows[p],
                             out_hbm.at[pl.ds(base + c * CHUNK, CHUNK)],
                             osem[p])

        def wait_out(p):
            pltpu.make_async_copy(rows[p], out_hbm.at[pl.ds(0, CHUNK)],
                                  osem[p]).wait()

        for p in range(LOOK):
            start_gather(p, p)
        for j in range(NBUF):
            pr = (j + LOOK) % NBUF
            if j < NBUF - LOOK:
                start_gather(j + LOOK, pr)
            else:
                wait_out(pr)
                start_gather(j + LOOK, pr)
            wait_gather(j)
            start_out(j, j)

        def round_body(r, carry):
            c0 = r * NBUF
            for j in range(NBUF):
                pr = (j + LOOK) % NBUF
                wait_out(pr)
                start_gather(c0 + j + LOOK, pr)
                wait_gather(j)
                start_out(c0 + j, j)
            return carry

        lax.fori_loop(1, nround - 1, round_body, 0)

        c0 = (nround - 1) * NBUF
        for j in range(NBUF):
            pr = (j + LOOK) % NBUF
            if j < NBUF - LOOK:
                wait_out(pr)
                start_gather(c0 + j + LOOK, pr)
            wait_gather(j)
            start_out(c0 + j, j)
        for p in range(NBUF):
            wait_out(p)

    return gather_kernel(table, idx3)


def kernel(phoneme_indices, phoneme_table, sutra_table, position_table,
           sutra_lookup, position_lookup, proj_w, proj_b):
    batch, seq = phoneme_indices.shape
    fused = _build_fused_table(phoneme_table, sutra_table, position_table,
                               sutra_lookup, position_lookup, proj_w, proj_b)
    n = batch * seq
    b_per_w = n // NW
    idx3 = phoneme_indices.reshape(NW, b_per_w // CHUNK, CHUNK).astype(jnp.int32)
    out = _sc_gather(fused, idx3, n)
    return out.reshape(batch, seq, D)

# --- scband reference (transcript-rebuilt; emitter-appended) ---
"""Pipeline reference for scband-paramtatva-embedding-60739427501070 (READ-ONLY COPY).

The authoritative reference and input builder live on the scoring server;
editing this copy changes nothing except your own understanding.
"""

import jax, jax.numpy as jnp
import numpy as np

VOCAB = 100000
EMBED_DIM = 64
BATCH = 4096
SEQ = 200

def setup_inputs(seed: int = 0) -> dict:
    key = jax.random.key(seed)
    k1, k2, k3, k4, k5, k6 = jax.random.split(key, 6)
    phoneme_indices = jax.random.randint(k1, (BATCH, SEQ), 0, VOCAB, dtype=jnp.int64 if jax.config.jax_enable_x64 else jnp.int32)
    phoneme_table = jax.random.normal(k2, (VOCAB, EMBED_DIM), dtype=jnp.float32) * 0.02
    sutra_table = jax.random.normal(k3, (15, EMBED_DIM), dtype=jnp.float32) * 0.02
    position_table = jax.random.normal(k4, (11, EMBED_DIM), dtype=jnp.float32) * 0.02
    # ptk_graph is None -> lookup tables stay at their default fill values (14 and 10)
    sutra_lookup = jnp.full((VOCAB,), 14, dtype=jnp.int32)
    position_lookup = jnp.full((VOCAB,), 10, dtype=jnp.int32)
    bound = 1.0 / np.sqrt(EMBED_DIM * 3)
    proj_w = jax.random.uniform(k5, (EMBED_DIM * 3, EMBED_DIM), dtype=jnp.float32, minval=-bound, maxval=bound)
    proj_b = jax.random.uniform(k6, (EMBED_DIM,), dtype=jnp.float32, minval=-bound, maxval=bound)
    return {
        "phoneme_indices": phoneme_indices,
        "phoneme_table": phoneme_table,
        "sutra_table": sutra_table,
        "position_table": position_table,
        "sutra_lookup": sutra_lookup,
        "position_lookup": position_lookup,
        "proj_w": proj_w,
        "proj_b": proj_b,
    }

def reference(phoneme_indices, phoneme_table, sutra_table, position_table, sutra_lookup, position_lookup, proj_w, proj_b):
    # phoneme embedding gather: [B, S, D]
    phoneme_embeds = jnp.take(phoneme_table, phoneme_indices, axis=0)
    # graph-feature index gathers (int lookups)
    sutra_indices = jnp.take(sutra_lookup, phoneme_indices, axis=0)
    position_indices = jnp.take(position_lookup, phoneme_indices, axis=0)
    sutra_embeds = jnp.take(sutra_table, sutra_indices, axis=0)
    position_embeds = jnp.take(position_table, position_indices, axis=0)
    combined = jnp.concatenate([phoneme_embeds, sutra_embeds, position_embeds], axis=-1)
    output = jnp.dot(combined, proj_w) + proj_b
    return output

if __name__ == "__main__":
    import jax
    _d = setup_inputs()
    print(jax.jit(kernel)(*tuple(_d.values())))

</pallas_src>

<mosaic_0001>
#map = affine_map<(d0, d1) -> (0, 0)>
#map1 = affine_map<(d0, d1) -> (0, 0, 0)>
module attributes {stable_mosaic.version = 14 : i64} {
  func.func @gather_kernel(%arg0: i32, %arg1: i32, %arg2: memref<100000x64xf32, #tpu.memory_space<hbm>>, %arg3: memref<32x200x128xi32, #tpu.memory_space<hbm>>, %arg4: memref<819200x64xf32, #tpu.memory_space<hbm>>, %arg5: memref<200x128xi32, #tpu.memory_space<vmem>>, %arg6: memref<128x64xf32, #tpu.memory_space<vmem>>, %arg7: memref<128x64xf32, #tpu.memory_space<vmem>>, %arg8: memref<128x64xf32, #tpu.memory_space<vmem>>, %arg9: memref<128x64xf32, #tpu.memory_space<vmem>>, %arg10: memref<128x64xf32, #tpu.memory_space<vmem>>, %arg11: memref<128x64xf32, #tpu.memory_space<vmem>>, %arg12: memref<128x64xf32, #tpu.memory_space<vmem>>, %arg13: memref<128x64xf32, #tpu.memory_space<vmem>>, %arg14: memref<!tpu.dma_semaphore, #tpu.memory_space<semaphore_mem>>, %arg15: memref<!tpu.dma_semaphore, #tpu.memory_space<semaphore_mem>>, %arg16: memref<!tpu.dma_semaphore, #tpu.memory_space<semaphore_mem>>, %arg17: memref<!tpu.dma_semaphore, #tpu.memory_space<semaphore_mem>>, %arg18: memref<!tpu.dma_semaphore, #tpu.memory_space<semaphore_mem>>, %arg19: memref<!tpu.dma_semaphore, #tpu.memory_space<semaphore_mem>>, %arg20: memref<!tpu.dma_semaphore, #tpu.memory_space<semaphore_mem>>, %arg21: memref<!tpu.dma_semaphore, #tpu.memory_space<semaphore_mem>>, %arg22: memref<!tpu.dma_semaphore, #tpu.memory_space<semaphore_mem>>, %arg23: memref<!tpu.dma_semaphore, #tpu.memory_space<semaphore_mem>>, %arg24: memref<!tpu.dma_semaphore, #tpu.memory_space<semaphore_mem>>, %arg25: memref<!tpu.dma_semaphore, #tpu.memory_space<semaphore_mem>>, %arg26: memref<!tpu.dma_semaphore, #tpu.memory_space<semaphore_mem>>, %arg27: memref<!tpu.dma_semaphore, #tpu.memory_space<semaphore_mem>>, %arg28: memref<!tpu.dma_semaphore, #tpu.memory_space<semaphore_mem>>, %arg29: memref<!tpu.dma_semaphore, #tpu.memory_space<semaphore_mem>>) attributes {dimension_semantics = [#tpu.dimension_semantics<core_parallel>, #tpu.dimension_semantics<subcore_parallel>], iteration_bounds = array<i64: 2, 16>, scalar_prefetch = 0 : i64, scratch_operands = 25 : i64, tpu.core_type = #tpu.core_type<sc_vector_subcore>, window_params = [{transform_indices = #map}, {transform_indices = #map1}, {transform_indices = #map}]} {
    %mul3A = arith.constant 2 : i32
    %mul3A_0 = arith.muli %arg1, %mul3A : i32
    %add3A = arith.addi %mul3A_0, %arg0 : i32
    %mul3A_1 = arith.constant 25600 : i32
    %mul3A_2 = arith.muli %add3A, %mul3A_1 : i32
    "tpu.region"() ({
      %run_scoped3A = tpu.sem_alloc : memref<!tpu.dma_semaphore, #tpu.memory_space<semaphore_mem>>
      %dma_start3A_422 = arith.constant 0 : i32
      %dma_start3A_423 = arith.constant 0 : i32
      %dma_start3A_424 = tpu.memref_slice %arg3[%add3A, %dma_start3A_422, %dma_start3A_423] : memref<32x200x128xi32, #tpu.memory_space<hbm>> -> memref<1x200x128xi32, #tpu.memory_space<hbm>>
      %dma_start3A_425 = tpu.memref_squeeze %dma_start3A_424 : memref<1x200x128xi32, #tpu.memory_space<hbm>> -> memref<200x128xi32, #tpu.memory_space<hbm>>
      %dma_start3A_426 = arith.constant 0 : i32
      %dma_start3A_427 = arith.constant 0 : i32
      %dma_start3A_428 = tpu.memref_slice %arg3[%add3A, %dma_start3A_426, %dma_start3A_427] : memref<32x200x128xi32, #tpu.memory_space<hbm>> -> memref<1x200x128xi32, #tpu.memory_space<hbm>>
      %dma_start3A_429 = tpu.memref_squeeze %dma_start3A_428 : memref<1x200x128xi32, #tpu.memory_space<hbm>> -> memref<200x128xi32, #tpu.memory_space<hbm>>
      tpu.enqueue_dma source(%dma_start3A_429 : memref<200x128xi32, #tpu.memory_space<hbm>>) target(%arg5 : memref<200x128xi32, #tpu.memory_space<vmem>>) target_semaphore(%run_scoped3A : memref<!tpu.dma_semaphore, #tpu.memory_space<semaphore_mem>>)
      %dma_wait3A_430 = arith.constant 0 : i32
      %dma_wait3A_431 = arith.constant 0 : i32
      %dma_wait3A_432 = tpu.memref_slice %arg3[%add3A, %dma_wait3A_430, %dma_wait3A_431] : memref<32x200x128xi32, #tpu.memory_space<hbm>> -> memref<1x200x128xi32, #tpu.memory_space<hbm>>
      %dma_wait3A_433 = tpu.memref_squeeze %dma_wait3A_432 : memref<1x200x128xi32, #tpu.memory_space<hbm>> -> memref<200x128xi32, #tpu.memory_space<hbm>>
      %dma_wait3A_434 = arith.constant 0 : i32
      %dma_wait3A_435 = arith.constant 0 : i32
      %dma_wait3A_436 = tpu.memref_slice %arg3[%add3A, %dma_wait3A_434, %dma_wait3A_435] : memref<32x200x128xi32, #tpu.memory_space<hbm>> -> memref<1x200x128xi32, #tpu.memory_space<hbm>>
      %dma_wait3A_437 = tpu.memref_squeeze %dma_wait3A_436 : memref<1x200x128xi32, #tpu.memory_space<hbm>> -> memref<200x128xi32, #tpu.memory_space<hbm>>
      tpu.wait_dma2 semaphore(%run_scoped3A : memref<!tpu.dma_semaphore, #tpu.memory_space<semaphore_mem>>) src(%dma_wait3A_437 : memref<200x128xi32, #tpu.memory_space<hbm>>) dst(%arg5 : memref<200x128xi32, #tpu.memory_space<vmem>>)
      tpu.yield
    }) : () -> ()
    %dma_start3A = arith.constant 0 : i32
    %dma_start3A_3 = arith.constant 0 : i32
    %dma_start3A_4 = tpu.memref_slice %arg5[%dma_start3A, %dma_start3A_3] : memref<200x128xi32, #tpu.memory_space<vmem>> -> memref<1x128xi32, #tpu.memory_space<vmem>>
    %dma_start3A_5 = tpu.memref_squeeze %dma_start3A_4 : memref<1x128xi32, #tpu.memory_space<vmem>> -> memref<128xi32, #tpu.memory_space<vmem>>
    %dma_start3A_6 = arith.constant 0 : i32
    %dma_start3A_7 = arith.constant 0 : i32
    %dma_start3A_8 = tpu.memref_slice %arg2[%dma_start3A_6, %dma_start3A_7] : memref<100000x64xf32, #tpu.memory_space<hbm>> -> memref<100000x64xf32, #tpu.memory_space<hbm>>
    tpu.enqueue_indirect_dma source(%dma_start3A_8 : memref<100000x64xf32, #tpu.memory_space<hbm>>) target(%arg6 : memref<128x64xf32, #tpu.memory_space<vmem>>) offsets(%dma_start3A_5 : memref<128xi32, #tpu.memory_space<vmem>>) semaphore(%arg14 : memref<!tpu.dma_semaphore, #tpu.memory_space<semaphore_mem>>)
    %dma_start3A_9 = arith.constant 1 : i32
    %dma_start3A_10 = arith.constant 0 : i32
    %dma_start3A_11 = tpu.memref_slice %arg5[%dma_start3A_9, %dma_start3A_10] : memref<200x128xi32, #tpu.memory_space<vmem>> -> memref<1x128xi32, #tpu.memory_space<vmem>>
    %dma_start3A_12 = tpu.memref_squeeze %dma_start3A_11 : memref<1x128xi32, #tpu.memory_space<vmem>> -> memref<128xi32, #tpu.memory_space<vmem>>
    %dma_start3A_13 = arith.constant 0 : i32
    %dma_start3A_14 = arith.constant 0 : i32
    %dma_start3A_15 = tpu.memref_slice %arg2[%dma_start3A_13, %dma_start3A_14] : memref<100000x64xf32, #tpu.memory_space<hbm>> -> memref<100000x64xf32, #tpu.memory_space<hbm>>
    tpu.enqueue_indirect_dma source(%dma_start3A_15 : memref<100000x64xf32, #tpu.memory_space<hbm>>) target(%arg7 : memref<128x64xf32, #tpu.memory_space<vmem>>) offsets(%dma_start3A_12 : memref<128xi32, #tpu.memory_space<vmem>>) semaphore(%arg15 : memref<!tpu.dma_semaphore, #tpu.memory_space<semaphore_mem>>)
    %dma_start3A_16 = arith.constant 2 : i32
    %dma_start3A_17 = arith.constant 0 : i32
    %dma_start3A_18 = tpu.memref_slice %arg5[%dma_start3A_16, %dma_start3A_17] : memref<200x128xi32, #tpu.memory_space<vmem>> -> memref<1x128xi32, #tpu.memory_space<vmem>>
    %dma_start3A_19 = tpu.memref_squeeze %dma_start3A_18 : memref<1x128xi32, #tpu.memory_space<vmem>> -> memref<128xi32, #tpu.memory_space<vmem>>
    %dma_start3A_20 = arith.constant 0 : i32
    %dma_start3A_21 = arith.constant 0 : i32
    %dma_start3A_22 = tpu.memref_slice %arg2[%dma_start3A_20, %dma_start3A_21] : memref<100000x64xf32, #tpu.memory_space<hbm>> -> memref<100000x64xf32, #tpu.memory_space<hbm>>
    tpu.enqueue_indirect_dma source(%dma_start3A_22 : memref<100000x64xf32, #tpu.memory_space<hbm>>) target(%arg8 : memref<128x64xf32, #tpu.memory_space<vmem>>) offsets(%dma_start3A_19 : memref<128xi32, #tpu.memory_space<vmem>>) semaphore(%arg16 : memref<!tpu.dma_semaphore, #tpu.memory_space<semaphore_mem>>)
    %dma_start3A_23 = arith.constant 3 : i32
    %dma_start3A_24 = arith.constant 0 : i32
    %dma_start3A_25 = tpu.memref_slice %arg5[%dma_start3A_23, %dma_start3A_24] : memref<200x128xi32, #tpu.memory_space<vmem>> -> memref<1x128xi32, #tpu.memory_space<vmem>>
    %dma_start3A_26 = tpu.memref_squeeze %dma_start3A_25 : memref<1x128xi32, #tpu.memory_space<vmem>> -> memref<128xi32, #tpu.memory_space<vmem>>
    %dma_start3A_27 = arith.constant 0 : i32
    %dma_start3A_28 = arith.constant 0 : i32
    %dma_start3A_29 = tpu.memref_slice %arg2[%dma_start3A_27, %dma_start3A_28] : memref<100000x64xf32, #tpu.memory_space<hbm>> -> memref<100000x64xf32, #tpu.memory_space<hbm>>
    tpu.enqueue_indirect_dma source(%dma_start3A_29 : memref<100000x64xf32, #tpu.memory_space<hbm>>) target(%arg9 : memref<128x64xf32, #tpu.memory_space<vmem>>) offsets(%dma_start3A_26 : memref<128xi32, #tpu.memory_space<vmem>>) semaphore(%arg17 : memref<!tpu.dma_semaphore, #tpu.memory_space<semaphore_mem>>)
    %dma_start3A_30 = arith.constant 4 : i32
    %dma_start3A_31 = arith.constant 0 : i32
    %dma_start3A_32 = tpu.memref_slice %arg5[%dma_start3A_30, %dma_start3A_31] : memref<200x128xi32, #tpu.memory_space<vmem>> -> memref<1x128xi32, #tpu.memory_space<vmem>>
    %dma_start3A_33 = tpu.memref_squeeze %dma_start3A_32 : memref<1x128xi32, #tpu.memory_space<vmem>> -> memref<128xi32, #tpu.memory_space<vmem>>
    %dma_start3A_34 = arith.constant 0 : i32
    %dma_start3A_35 = arith.constant 0 : i32
    %dma_start3A_36 = tpu.memref_slice %arg2[%dma_start3A_34, %dma_start3A_35] : memref<100000x64xf32, #tpu.memory_space<hbm>> -> memref<100000x64xf32, #tpu.memory_space<hbm>>
    tpu.enqueue_indirect_dma source(%dma_start3A_36 : memref<100000x64xf32, #tpu.memory_space<hbm>>) target(%arg10 : memref<128x64xf32, #tpu.memory_space<vmem>>) offsets(%dma_start3A_33 : memref<128xi32, #tpu.memory_space<vmem>>) semaphore(%arg18 : memref<!tpu.dma_semaphore, #tpu.memory_space<semaphore_mem>>)
    %dma_wait3A = arith.constant 0 : i32
    %dma_wait3A_37 = arith.constant 0 : i32
    %dma_wait3A_38 = tpu.memref_slice %arg5[%dma_wait3A, %dma_wait3A_37] : memref<200x128xi32, #tpu.memory_space<vmem>> -> memref<1x128xi32, #tpu.memory_space<vmem>>
    %dma_wait3A_39 = tpu.memref_squeeze %dma_wait3A_38 : memref<1x128xi32, #tpu.memory_space<vmem>> -> memref<128xi32, #tpu.memory_space<vmem>>
    %dma_wait3A_40 = arith.constant 0 : i32
    %dma_wait3A_41 = arith.constant 0 : i32
    %dma_wait3A_42 = tpu.memref_slice %arg2[%dma_wait3A_40, %dma_wait3A_41] : memref<100000x64xf32, #tpu.memory_space<hbm>> -> memref<100000x64xf32, #tpu.memory_space<hbm>>
    tpu.wait_indirect_dma semaphore(%arg14 : memref<!tpu.dma_semaphore, #tpu.memory_space<semaphore_mem>>) src(%dma_wait3A_42 : memref<100000x64xf32, #tpu.memory_space<hbm>>) dst(%arg6 : memref<128x64xf32, #tpu.memory_space<vmem>>)
    %add3A_43 = arith.constant 0 : i32
    %add3A_44 = arith.addi %mul3A_2, %add3A_43 : i32
    %dma_start3A_45 = arith.constant 0 : i32
    %dma_start3A_46 = tpu.memref_slice %arg4[%add3A_44, %dma_start3A_45] : memref<819200x64xf32, #tpu.memory_space<hbm>> -> memref<128x64xf32, #tpu.memory_space<hbm>>
    %dma_start3A_47 = arith.constant 0 : i32
    %dma_start3A_48 = tpu.memref_slice %arg4[%add3A_44, %dma_start3A_47] : memref<819200x64xf32, #tpu.memory_space<hbm>> -> memref<128x64xf32, #tpu.memory_space<hbm>>
    tpu.enqueue_dma source(%arg6 : memref<128x64xf32, #tpu.memory_space<vmem>>) target(%dma_start3A_48 : memref<128x64xf32, #tpu.memory_space<hbm>>) target_semaphore(%arg22 : memref<!tpu.dma_semaphore, #tpu.memory_space<semaphore_mem>>)
    %dma_start3A_49 = arith.constant 5 : i32
    %dma_start3A_50 = arith.constant 0 : i32
    %dma_start3A_51 = tpu.memref_slice %arg5[%dma_start3A_49, %dma_start3A_50] : memref<200x128xi32, #tpu.memory_space<vmem>> -> memref<1x128xi32, #tpu.memory_space<vmem>>
    %dma_start3A_52 = tpu.memref_squeeze %dma_start3A_51 : memref<1x128xi32, #tpu.memory_space<vmem>> -> memref<128xi32, #tpu.memory_space<vmem>>
    %dma_start3A_53 = arith.constant 0 : i32
    %dma_start3A_54 = arith.constant 0 : i32
    %dma_start3A_55 = tpu.memref_slice %arg2[%dma_start3A_53, %dma_start3A_54] : memref<100000x64xf32, #tpu.memory_space<hbm>> -> memref<100000x64xf32, #tpu.memory_space<hbm>>
    tpu.enqueue_indirect_dma source(%dma_start3A_55 : memref<100000x64xf32, #tpu.memory_space<hbm>>) target(%arg11 : memref<128x64xf32, #tpu.memory_space<vmem>>) offsets(%dma_start3A_52 : memref<128xi32, #tpu.memory_space<vmem>>) semaphore(%arg19 : memref<!tpu.dma_semaphore, #tpu.memory_space<semaphore_mem>>)
    %dma_wait3A_56 = arith.constant 0 : i32
    %dma_wait3A_57 = arith.constant 0 : i32
    %dma_wait3A_58 = tpu.memref_slice %arg5[%dma_wait3A_56, %dma_wait3A_57] : memref<200x128xi32, #tpu.memory_space<vmem>> -> memref<1x128xi32, #tpu.memory_space<vmem>>
    %dma_wait3A_59 = tpu.memref_squeeze %dma_wait3A_58 : memref<1x128xi32, #tpu.memory_space<vmem>> -> memref<128xi32, #tpu.memory_space<vmem>>
    %dma_wait3A_60 = arith.constant 0 : i32
    %dma_wait3A_61 = arith.constant 0 : i32
    %dma_wait3A_62 = tpu.memref_slice %arg2[%dma_wait3A_60, %dma_wait3A_61] : memref<100000x64xf32, #tpu.memory_space<hbm>> -> memref<100000x64xf32, #tpu.memory_space<hbm>>
    tpu.wait_indirect_dma semaphore(%arg15 : memref<!tpu.dma_semaphore, #tpu.memory_space<semaphore_mem>>) src(%dma_wait3A_62 : memref<100000x64xf32, #tpu.memory_space<hbm>>) dst(%arg7 : memref<128x64xf32, #tpu.memory_space<vmem>>)
    %add3A_63 = arith.constant 128 : i32
    %add3A_64 = arith.addi %mul3A_2, %add3A_63 : i32
    %dma_start3A_65 = arith.constant 0 : i32
    %dma_start3A_66 = tpu.memref_slice %arg4[%add3A_64, %dma_start3A_65] : memref<819200x64xf32, #tpu.memory_space<hbm>> -> memref<128x64xf32, #tpu.memory_space<hbm>>
    %dma_start3A_67 = arith.constant 0 : i32
    %dma_start3A_68 = tpu.memref_slice %arg4[%add3A_64, %dma_start3A_67] : memref<819200x64xf32, #tpu.memory_space<hbm>> -> memref<128x64xf32, #tpu.memory_space<hbm>>
    tpu.enqueue_dma source(%arg7 : memref<128x64xf32, #tpu.memory_space<vmem>>) target(%dma_start3A_68 : memref<128x64xf32, #tpu.memory_space<hbm>>) target_semaphore(%arg23 : memref<!tpu.dma_semaphore, #tpu.memory_space<semaphore_mem>>)
    %dma_start3A_69 = arith.constant 6 : i32
    %dma_start3A_70 = arith.constant 0 : i32
    %dma_start3A_71 = tpu.memref_slice %arg5[%dma_start3A_69, %dma_start3A_70] : memref<200x128xi32, #tpu.memory_space<vmem>> -> memref<1x128xi32, #tpu.memory_space<vmem>>
    %dma_start3A_72 = tpu.memref_squeeze %dma_start3A_71 : memref<1x128xi32, #tpu.memory_space<vmem>> -> memref<128xi32, #tpu.memory_space<vmem>>
    %dma_start3A_73 = arith.constant 0 : i32
    %dma_start3A_74 = arith.constant 0 : i32
    %dma_start3A_75 = tpu.memref_slice %arg2[%dma_start3A_73, %dma_start3A_74] : memref<100000x64xf32, #tpu.memory_space<hbm>> -> memref<100000x64xf32, #tpu.memory_space<hbm>>
    tpu.enqueue_indirect_dma source(%dma_start3A_75 : memref<100000x64xf32, #tpu.memory_space<hbm>>) target(%arg12 : memref<128x64xf32, #tpu.memory_space<vmem>>) offsets(%dma_start3A_72 : memref<128xi32, #tpu.memory_space<vmem>>) semaphore(%arg20 : memref<!tpu.dma_semaphore, #tpu.memory_space<semaphore_mem>>)
    %dma_wait3A_76 = arith.constant 0 : i32
    %dma_wait3A_77 = arith.constant 0 : i32
    %dma_wait3A_78 = tpu.memref_slice %arg5[%dma_wait3A_76, %dma_wait3A_77] : memref<200x128xi32, #tpu.memory_space<vmem>> -> memref<1x128xi32, #tpu.memory_space<vmem>>
    %dma_wait3A_79 = tpu.memref_squeeze %dma_wait3A_78 : memref<1x128xi32, #tpu.memory_space<vmem>> -> memref<128xi32, #tpu.memory_space<vmem>>
    %dma_wait3A_80 = arith.constant 0 : i32
    %dma_wait3A_81 = arith.constant 0 : i32
    %dma_wait3A_82 = tpu.memref_slice %arg2[%dma_wait3A_80, %dma_wait3A_81] : memref<100000x64xf32, #tpu.memory_space<hbm>> -> memref<100000x64xf32, #tpu.memory_space<hbm>>
    tpu.wait_indirect_dma semaphore(%arg16 : memref<!tpu.dma_semaphore, #tpu.memory_space<semaphore_mem>>) src(%dma_wait3A_82 : memref<100000x64xf32, #tpu.memory_space<hbm>>) dst(%arg8 : memref<128x64xf32, #tpu.memory_space<vmem>>)
    %add3A_83 = arith.constant 256 : i32
    %add3A_84 = arith.addi %mul3A_2, %add3A_83 : i32
    %dma_start3A_85 = arith.constant 0 : i32
    %dma_start3A_86 = tpu.memref_slice %arg4[%add3A_84, %dma_start3A_85] : memref<819200x64xf32, #tpu.memory_space<hbm>> -> memref<128x64xf32, #tpu.memory_space<hbm>>
    %dma_start3A_87 = arith.constant 0 : i32
    %dma_start3A_88 = tpu.memref_slice %arg4[%add3A_84, %dma_start3A_87] : memref<819200x64xf32, #tpu.memory_space<hbm>> -> memref<128x64xf32, #tpu.memory_space<hbm>>
    tpu.enqueue_dma source(%arg8 : memref<128x64xf32, #tpu.memory_space<vmem>>) target(%dma_start3A_88 : memref<128x64xf32, #tpu.memory_space<hbm>>) target_semaphore(%arg24 : memref<!tpu.dma_semaphore, #tpu.memory_space<semaphore_mem>>)
    %dma_start3A_89 = arith.constant 7 : i32
    %dma_start3A_90 = arith.constant 0 : i32
    %dma_start3A_91 = tpu.memref_slice %arg5[%dma_start3A_89, %dma_start3A_90] : memref<200x128xi32, #tpu.memory_space<vmem>> -> memref<1x128xi32, #tpu.memory_space<vmem>>
    %dma_start3A_92 = tpu.memref_squeeze %dma_start3A_91 : memref<1x128xi32, #tpu.memory_space<vmem>> -> memref<128xi32, #tpu.memory_space<vmem>>
    %dma_start3A_93 = arith.constant 0 : i32
    %dma_start3A_94 = arith.constant 0 : i32
    %dma_start3A_95 = tpu.memref_slice %arg2[%dma_start3A_93, %dma_start3A_94] : memref<100000x64xf32, #tpu.memory_space<hbm>> -> memref<100000x64xf32, #tpu.memory_space<hbm>>
    tpu.enqueue_indirect_dma source(%dma_start3A_95 : memref<100000x64xf32, #tpu.memory_space<hbm>>) target(%arg13 : memref<128x64xf32, #tpu.memory_space<vmem>>) offsets(%dma_start3A_92 : memref<128xi32, #tpu.memory_space<vmem>>) semaphore(%arg21 : memref<!tpu.dma_semaphore, #tpu.memory_space<semaphore_mem>>)
    %dma_wait3A_96 = arith.constant 0 : i32
    %dma_wait3A_97 = arith.constant 0 : i32
    %dma_wait3A_98 = tpu.memref_slice %arg5[%dma_wait3A_96, %dma_wait3A_97] : memref<200x128xi32, #tpu.memory_space<vmem>> -> memref<1x128xi32, #tpu.memory_space<vmem>>
    %dma_wait3A_99 = tpu.memref_squeeze %dma_wait3A_98 : memref<1x128xi32, #tpu.memory_space<vmem>> -> memref<128xi32, #tpu.memory_space<vmem>>
    %dma_wait3A_100 = arith.constant 0 : i32
    %dma_wait3A_101 = arith.constant 0 : i32
    %dma_wait3A_102 = tpu.memref_slice %arg2[%dma_wait3A_100, %dma_wait3A_101] : memref<100000x64xf32, #tpu.memory_space<hbm>> -> memref<100000x64xf32, #tpu.memory_space<hbm>>
    tpu.wait_indirect_dma semaphore(%arg17 : memref<!tpu.dma_semaphore, #tpu.memory_space<semaphore_mem>>) src(%dma_wait3A_102 : memref<100000x64xf32, #tpu.memory_space<hbm>>) dst(%arg9 : memref<128x64xf32, #tpu.memory_space<vmem>>)
    %add3A_103 = arith.constant 384 : i32
    %add3A_104 = arith.addi %mul3A_2, %add3A_103 : i32
    %dma_start3A_105 = arith.constant 0 : i32
    %dma_start3A_106 = tpu.memref_slice %arg4[%add3A_104, %dma_start3A_105] : memref<819200x64xf32, #tpu.memory_space<hbm>> -> memref<128x64xf32, #tpu.memory_space<hbm>>
    %dma_start3A_107 = arith.constant 0 : i32
    %dma_start3A_108 = tpu.memref_slice %arg4[%add3A_104, %dma_start3A_107] : memref<819200x64xf32, #tpu.memory_space<hbm>> -> memref<128x64xf32, #tpu.memory_space<hbm>>
    tpu.enqueue_dma source(%arg9 : memref<128x64xf32, #tpu.memory_space<vmem>>) target(%dma_start3A_108 : memref<128x64xf32, #tpu.memory_space<hbm>>) target_semaphore(%arg25 : memref<!tpu.dma_semaphore, #tpu.memory_space<semaphore_mem>>)
    %dma_wait3A_109 = arith.constant 0 : i32
    %dma_wait3A_110 = arith.constant 0 : i32
    %dma_wait3A_111 = tpu.memref_slice %arg4[%dma_wait3A_109, %dma_wait3A_110] : memref<819200x64xf32, #tpu.memory_space<hbm>> -> memref<128x64xf32, #tpu.memory_space<hbm>>
    %dma_wait3A_112 = arith.constant 0 : i32
    %dma_wait3A_113 = arith.constant 0 : i32
    %dma_wait3A_114 = tpu.memref_slice %arg4[%dma_wait3A_112, %dma_wait3A_113] : memref<819200x64xf32, #tpu.memory_space<hbm>> -> memref<128x64xf32, #tpu.memory_space<hbm>>
    tpu.wait_dma2 semaphore(%arg22 : memref<!tpu.dma_semaphore, #tpu.memory_space<semaphore_mem>>) src(%arg6 : memref<128x64xf32, #tpu.memory_space<vmem>>) dst(%dma_wait3A_114 : memref<128x64xf32, #tpu.memory_space<hbm>>)
    %dma_start3A_115 = arith.constant 8 : i32
    %dma_start3A_116 = arith.constant 0 : i32
    %dma_start3A_117 = tpu.memref_slice %arg5[%dma_start3A_115, %dma_start3A_116] : memref<200x128xi32, #tpu.memory_space<vmem>> -> memref<1x128xi32, #tpu.memory_space<vmem>>
    %dma_start3A_118 = tpu.memref_squeeze %dma_start3A_117 : memref<1x128xi32, #tpu.memory_space<vmem>> -> memref<128xi32, #tpu.memory_space<vmem>>
    %dma_start3A_119 = arith.constant 0 : i32
    %dma_start3A_120 = arith.constant 0 : i32
    %dma_start3A_121 = tpu.memref_slice %arg2[%dma_start3A_119, %dma_start3A_120] : memref<100000x64xf32, #tpu.memory_space<hbm>> -> memref<100000x64xf32, #tpu.memory_space<hbm>>
    tpu.enqueue_indirect_dma source(%dma_start3A_121 : memref<100000x64xf32, #tpu.memory_space<hbm>>) target(%arg6 : memref<128x64xf32, #tpu.memory_space<vmem>>) offsets(%dma_start3A_118 : memref<128xi32, #tpu.memory_space<vmem>>) semaphore(%arg14 : memref<!tpu.dma_semaphore, #tpu.memory_space<semaphore_mem>>)
    %dma_wait3A_122 = arith.constant 0 : i32
    %dma_wait3A_123 = arith.constant 0 : i32
    %dma_wait3A_124 = tpu.memref_slice %arg5[%dma_wait3A_122, %dma_wait3A_123] : memref<200x128xi32, #tpu.memory_space<vmem>> -> memref<1x128xi32, #tpu.memory_space<vmem>>
    %dma_wait3A_125 = tpu.memref_squeeze %dma_wait3A_124 : memref<1x128xi32, #tpu.memory_space<vmem>> -> memref<128xi32, #tpu.memory_space<vmem>>
    %dma_wait3A_126 = arith.constant 0 : i32
    %dma_wait3A_127 = arith.constant 0 : i32
    %dma_wait3A_128 = tpu.memref_slice %arg2[%dma_wait3A_126, %dma_wait3A_127] : memref<100000x64xf32, #tpu.memory_space<hbm>> -> memref<100000x64xf32, #tpu.memory_space<hbm>>
    tpu.wait_indirect_dma semaphore(%arg18 : memref<!tpu.dma_semaphore, #tpu.memory_space<semaphore_mem>>) src(%dma_wait3A_128 : memref<100000x64xf32, #tpu.memory_space<hbm>>) dst(%arg10 : memref<128x64xf32, #tpu.memory_space<vmem>>)
    %add3A_129 = arith.constant 512 : i32
    %add3A_130 = arith.addi %mul3A_2, %add3A_129 : i32
    %dma_start3A_131 = arith.constant 0 : i32
    %dma_start3A_132 = tpu.memref_slice %arg4[%add3A_130, %dma_start3A_131] : memref<819200x64xf32, #tpu.memory_space<hbm>> -> memref<128x64xf32, #tpu.memory_space<hbm>>
    %dma_start3A_133 = arith.constant 0 : i32
    %dma_start3A_134 = tpu.memref_slice %arg4[%add3A_130, %dma_start3A_133] : memref<819200x64xf32, #tpu.memory_space<hbm>> -> memref<128x64xf32, #tpu.memory_space<hbm>>
    tpu.enqueue_dma source(%arg10 : memref<128x64xf32, #tpu.memory_space<vmem>>) target(%dma_start3A_134 : memref<128x64xf32, #tpu.memory_space<hbm>>) target_semaphore(%arg26 : memref<!tpu.dma_semaphore, #tpu.memory_space<semaphore_mem>>)
    %dma_wait3A_135 = arith.constant 0 : i32
    %dma_wait3A_136 = arith.constant 0 : i32
    %dma_wait3A_137 = tpu.memref_slice %arg4[%dma_wait3A_135, %dma_wait3A_136] : memref<819200x64xf32, #tpu.memory_space<hbm>> -> memref<128x64xf32, #tpu.memory_space<hbm>>
    %dma_wait3A_138 = arith.constant 0 : i32
    %dma_wait3A_139 = arith.constant 0 : i32
    %dma_wait3A_140 = tpu.memref_slice %arg4[%dma_wait3A_138, %dma_wait3A_139] : memref<819200x64xf32, #tpu.memory_space<hbm>> -> memref<128x64xf32, #tpu.memory_space<hbm>>
    tpu.wait_dma2 semaphore(%arg23 : memref<!tpu.dma_semaphore, #tpu.memory_space<semaphore_mem>>) src(%arg7 : memref<128x64xf32, #tpu.memory_space<vmem>>) dst(%dma_wait3A_140 : memref<128x64xf32, #tpu.memory_space<hbm>>)
    %dma_start3A_141 = arith.constant 9 : i32
    %dma_start3A_142 = arith.constant 0 : i32
    %dma_start3A_143 = tpu.memref_slice %arg5[%dma_start3A_141, %dma_start3A_142] : memref<200x128xi32, #tpu.memory_space<vmem>> -> memref<1x128xi32, #tpu.memory_space<vmem>>
    %dma_start3A_144 = tpu.memref_squeeze %dma_start3A_143 : memref<1x128xi32, #tpu.memory_space<vmem>> -> memref<128xi32, #tpu.memory_space<vmem>>
    %dma_start3A_145 = arith.constant 0 : i32
    %dma_start3A_146 = arith.constant 0 : i32
    %dma_start3A_147 = tpu.memref_slice %arg2[%dma_start3A_145, %dma_start3A_146] : memref<100000x64xf32, #tpu.memory_space<hbm>> -> memref<100000x64xf32, #tpu.memory_space<hbm>>
    tpu.enqueue_indirect_dma source(%dma_start3A_147 : memref<100000x64xf32, #tpu.memory_space<hbm>>) target(%arg7 : memref<128x64xf32, #tpu.memory_space<vmem>>) offsets(%dma_start3A_144 : memref<128xi32, #tpu.memory_space<vmem>>) semaphore(%arg15 : memref<!tpu.dma_semaphore, #tpu.memory_space<semaphore_mem>>)
    %dma_wait3A_148 = arith.constant 0 : i32
    %dma_wait3A_149 = arith.constant 0 : i32
    %dma_wait3A_150 = tpu.memref_slice %arg5[%dma_wait3A_148, %dma_wait3A_149] : memref<200x128xi32, #tpu.memory_space<vmem>> -> memref<1x128xi32, #tpu.memory_space<vmem>>
    %dma_wait3A_151 = tpu.memref_squeeze %dma_wait3A_150 : memref<1x128xi32, #tpu.memory_space<vmem>> -> memref<128xi32, #tpu.memory_space<vmem>>
    %dma_wait3A_152 = arith.constant 0 : i32
    %dma_wait3A_153 = arith.constant 0 : i32
    %dma_wait3A_154 = tpu.memref_slice %arg2[%dma_wait3A_152, %dma_wait3A_153] : memref<100000x64xf32, #tpu.memory_space<hbm>> -> memref<100000x64xf32, #tpu.memory_space<hbm>>
    tpu.wait_indirect_dma semaphore(%arg19 : memref<!tpu.dma_semaphore, #tpu.memory_space<semaphore_mem>>) src(%dma_wait3A_154 : memref<100000x64xf32, #tpu.memory_space<hbm>>) dst(%arg11 : memref<128x64xf32, #tpu.memory_space<vmem>>)
    %add3A_155 = arith.constant 640 : i32
    %add3A_156 = arith.addi %mul3A_2, %add3A_155 : i32
    %dma_start3A_157 = arith.constant 0 : i32
    %dma_start3A_158 = tpu.memref_slice %arg4[%add3A_156, %dma_start3A_157] : memref<819200x64xf32, #tpu.memory_space<hbm>> -> memref<128x64xf32, #tpu.memory_space<hbm>>
    %dma_start3A_159 = arith.constant 0 : i32
    %dma_start3A_160 = tpu.memref_slice %arg4[%add3A_156, %dma_start3A_159] : memref<819200x64xf32, #tpu.memory_space<hbm>> -> memref<128x64xf32, #tpu.memory_space<hbm>>
    tpu.enqueue_dma source(%arg11 : memref<128x64xf32, #tpu.memory_space<vmem>>) target(%dma_start3A_160 : memref<128x64xf32, #tpu.memory_space<hbm>>) target_semaphore(%arg27 : memref<!tpu.dma_semaphore, #tpu.memory_space<semaphore_mem>>)
    %dma_wait3A_161 = arith.constant 0 : i32
    %dma_wait3A_162 = arith.constant 0 : i32
    %dma_wait3A_163 = tpu.memref_slice %arg4[%dma_wait3A_161, %dma_wait3A_162] : memref<819200x64xf32, #tpu.memory_space<hbm>> -> memref<128x64xf32, #tpu.memory_space<hbm>>
    %dma_wait3A_164 = arith.constant 0 : i32
    %dma_wait3A_165 = arith.constant 0 : i32
    %dma_wait3A_166 = tpu.memref_slice %arg4[%dma_wait3A_164, %dma_wait3A_165] : memref<819200x64xf32, #tpu.memory_space<hbm>> -> memref<128x64xf32, #tpu.memory_space<hbm>>
    tpu.wait_dma2 semaphore(%arg24 : memref<!tpu.dma_semaphore, #tpu.memory_space<semaphore_mem>>) src(%arg8 : memref<128x64xf32, #tpu.memory_space<vmem>>) dst(%dma_wait3A_166 : memref<128x64xf32, #tpu.memory_space<hbm>>)
    %dma_start3A_167 = arith.constant 10 : i32
    %dma_start3A_168 = arith.constant 0 : i32
    %dma_start3A_169 = tpu.memref_slice %arg5[%dma_start3A_167, %dma_start3A_168] : memref<200x128xi32, #tpu.memory_space<vmem>> -> memref<1x128xi32, #tpu.memory_space<vmem>>
    %dma_start3A_170 = tpu.memref_squeeze %dma_start3A_169 : memref<1x128xi32, #tpu.memory_space<vmem>> -> memref<128xi32, #tpu.memory_space<vmem>>
    %dma_start3A_171 = arith.constant 0 : i32
    %dma_start3A_172 = arith.constant 0 : i32
    %dma_start3A_173 = tpu.memref_slice %arg2[%dma_start3A_171, %dma_start3A_172] : memref<100000x64xf32, #tpu.memory_space<hbm>> -> memref<100000x64xf32, #tpu.memory_space<hbm>>
    tpu.enqueue_indirect_dma source(%dma_start3A_173 : memref<100000x64xf32, #tpu.memory_space<hbm>>) target(%arg8 : memref<128x64xf32, #tpu.memory_space<vmem>>) offsets(%dma_start3A_170 : memref<128xi32, #tpu.memory_space<vmem>>) semaphore(%arg16 : memref<!tpu.dma_semaphore, #tpu.memory_space<semaphore_mem>>)
    %dma_wait3A_174 = arith.constant 0 : i32
    %dma_wait3A_175 = arith.constant 0 : i32
    %dma_wait3A_176 = tpu.memref_slice %arg5[%dma_wait3A_174, %dma_wait3A_175] : memref<200x128xi32, #tpu.memory_space<vmem>> -> memref<1x128xi32, #tpu.memory_space<vmem>>
    %dma_wait3A_177 = tpu.memref_squeeze %dma_wait3A_176 : memref<1x128xi32, #tpu.memory_space<vmem>> -> memref<128xi32, #tpu.memory_space<vmem>>
    %dma_wait3A_178 = arith.constant 0 : i32
    %dma_wait3A_179 = arith.constant 0 : i32
    %dma_wait3A_180 = tpu.memref_slice %arg2[%dma_wait3A_178, %dma_wait3A_179] : memref<100000x64xf32, #tpu.memory_space<hbm>> -> memref<100000x64xf32, #tpu.memory_space<hbm>>
    tpu.wait_indirect_dma semaphore(%arg20 : memref<!tpu.dma_semaphore, #tpu.memory_space<semaphore_mem>>) src(%dma_wait3A_180 : memref<100000x64xf32, #tpu.memory_space<hbm>>) dst(%arg12 : memref<128x64xf32, #tpu.memory_space<vmem>>)
    %add3A_181 = arith.constant 768 : i32
    %add3A_182 = arith.addi %mul3A_2, %add3A_181 : i32
    %dma_start3A_183 = arith.constant 0 : i32
    %dma_start3A_184 = tpu.memref_slice %arg4[%add3A_182, %dma_start3A_183] : memref<819200x64xf32, #tpu.memory_space<hbm>> -> memref<128x64xf32, #tpu.memory_space<hbm>>
    %dma_start3A_185 = arith.constant 0 : i32
    %dma_start3A_186 = tpu.memref_slice %arg4[%add3A_182, %dma_start3A_185] : memref<819200x64xf32, #tpu.memory_space<hbm>> -> memref<128x64xf32, #tpu.memory_space<hbm>>
    tpu.enqueue_dma source(%arg12 : memref<128x64xf32, #tpu.memory_space<vmem>>) target(%dma_start3A_186 : memref<128x64xf32, #tpu.memory_space<hbm>>) target_semaphore(%arg28 : memref<!tpu.dma_semaphore, #tpu.memory_space<semaphore_mem>>)
    %dma_wait3A_187 = arith.constant 0 : i32
    %dma_wait3A_188 = arith.constant 0 : i32
    %dma_wait3A_189 = tpu.memref_slice %arg4[%dma_wait3A_187, %dma_wait3A_188] : memref<819200x64xf32, #tpu.memory_space<hbm>> -> memref<128x64xf32, #tpu.memory_space<hbm>>
    %dma_wait3A_190 = arith.constant 0 : i32
    %dma_wait3A_191 = arith.constant 0 : i32
    %dma_wait3A_192 = tpu.memref_slice %arg4[%dma_wait3A_190, %dma_wait3A_191] : memref<819200x64xf32, #tpu.memory_space<hbm>> -> memref<128x64xf32, #tpu.memory_space<hbm>>
    tpu.wait_dma2 semaphore(%arg25 : memref<!tpu.dma_semaphore, #tpu.memory_space<semaphore_mem>>) src(%arg9 : memref<128x64xf32, #tpu.memory_space<vmem>>) dst(%dma_wait3A_192 : memref<128x64xf32, #tpu.memory_space<hbm>>)
    %dma_start3A_193 = arith.constant 11 : i32
    %dma_start3A_194 = arith.constant 0 : i32
    %dma_start3A_195 = tpu.memref_slice %arg5[%dma_start3A_193, %dma_start3A_194] : memref<200x128xi32, #tpu.memory_space<vmem>> -> memref<1x128xi32, #tpu.memory_space<vmem>>
    %dma_start3A_196 = tpu.memref_squeeze %dma_start3A_195 : memref<1x128xi32, #tpu.memory_space<vmem>> -> memref<128xi32, #tpu.memory_space<vmem>>
    %dma_start3A_197 = arith.constant 0 : i32
    %dma_start3A_198 = arith.constant 0 : i32
    %dma_start3A_199 = tpu.memref_slice %arg2[%dma_start3A_197, %dma_start3A_198] : memref<100000x64xf32, #tpu.memory_space<hbm>> -> memref<100000x64xf32, #tpu.memory_space<hbm>>
    tpu.enqueue_indirect_dma source(%dma_start3A_199 : memref<100000x64xf32, #tpu.memory_space<hbm>>) target(%arg9 : memref<128x64xf32, #tpu.memory_space<vmem>>) offsets(%dma_start3A_196 : memref<128xi32, #tpu.memory_space<vmem>>) semaphore(%arg17 : memref<!tpu.dma_semaphore, #tpu.memory_space<semaphore_mem>>)
    %dma_wait3A_200 = arith.constant 0 : i32
    %dma_wait3A_201 = arith.constant 0 : i32
    %dma_wait3A_202 = tpu.memref_slice %arg5[%dma_wait3A_200, %dma_wait3A_201] : memref<200x128xi32, #tpu.memory_space<vmem>> -> memref<1x128xi32, #tpu.memory_space<vmem>>
    %dma_wait3A_203 = tpu.memref_squeeze %dma_wait3A_202 : memref<1x128xi32, #tpu.memory_space<vmem>> -> memref<128xi32, #tpu.memory_space<vmem>>
    %dma_wait3A_204 = arith.constant 0 : i32
    %dma_wait3A_205 = arith.constant 0 : i32
    %dma_wait3A_206 = tpu.memref_slice %arg2[%dma_wait3A_204, %dma_wait3A_205] : memref<100000x64xf32, #tpu.memory_space<hbm>> -> memref<100000x64xf32, #tpu.memory_space<hbm>>
    tpu.wait_indirect_dma semaphore(%arg21 : memref<!tpu.dma_semaphore, #tpu.memory_space<semaphore_mem>>) src(%dma_wait3A_206 : memref<100000x64xf32, #tpu.memory_space<hbm>>) dst(%arg13 : memref<128x64xf32, #tpu.memory_space<vmem>>)
    %add3A_207 = arith.constant 896 : i32
    %add3A_208 = arith.addi %mul3A_2, %add3A_207 : i32
    %dma_start3A_209 = arith.constant 0 : i32
    %dma_start3A_210 = tpu.memref_slice %arg4[%add3A_208, %dma_start3A_209] : memref<819200x64xf32, #tpu.memory_space<hbm>> -> memref<128x64xf32, #tpu.memory_space<hbm>>
    %dma_start3A_211 = arith.constant 0 : i32
    %dma_start3A_212 = tpu.memref_slice %arg4[%add3A_208, %dma_start3A_211] : memref<819200x64xf32, #tpu.memory_space<hbm>> -> memref<128x64xf32, #tpu.memory_space<hbm>>
    tpu.enqueue_dma source(%arg13 : memref<128x64xf32, #tpu.memory_space<vmem>>) target(%dma_start3A_212 : memref<128x64xf32, #tpu.memory_space<hbm>>) target_semaphore(%arg29 : memref<!tpu.dma_semaphore, #tpu.memory_space<semaphore_mem>>)
    %scan3A = arith.constant 0 : i32
    %scan3A_213 = arith.constant 1 : i32
    %scan3A_214 = arith.constant 23 : i32
    %scan3A_215 = arith.addi %scan3A_213, %scan3A_214 : i32
    %scan3A_216 = arith.constant 1 : i32
    scf.for %scan3A_422 = %scan3A_213 to %scan3A_215 step %scan3A_216  : i32 {
      %mul3A_423 = arith.constant 8 : i32
      %mul3A_424 = arith.muli %scan3A_422, %mul3A_423 : i32
      %dma_wait3A_425 = arith.constant 0 : i32
      %dma_wait3A_426 = arith.constant 0 : i32
      %dma_wait3A_427 = tpu.memref_slice %arg4[%dma_wait3A_425, %dma_wait3A_426] : memref<819200x64xf32, #tpu.memory_space<hbm>> -> memref<128x64xf32, #tpu.memory_space<hbm>>
      %dma_wait3A_428 = arith.constant 0 : i32
      %dma_wait3A_429 = arith.constant 0 : i32
      %dma_wait3A_430 = tpu.memref_slice %arg4[%dma_wait3A_428, %dma_wait3A_429] : memref<819200x64xf32, #tpu.memory_space<hbm>> -> memref<128x64xf32, #tpu.memory_space<hbm>>
      tpu.wait_dma2 semaphore(%arg26 : memref<!tpu.dma_semaphore, #tpu.memory_space<semaphore_mem>>) src(%arg10 : memref<128x64xf32, #tpu.memory_space<vmem>>) dst(%dma_wait3A_430 : memref<128x64xf32, #tpu.memory_space<hbm>>)
      %add3A_431 = arith.constant 0 : i32
      %add3A_432 = arith.addi %mul3A_424, %add3A_431 : i32
      %add3A_433 = arith.constant 4 : i32
      %add3A_434 = arith.addi %add3A_432, %add3A_433 : i32
      %dma_start3A_435 = arith.constant 0 : i32
      %dma_start3A_436 = tpu.memref_slice %arg5[%add3A_434, %dma_start3A_435] : memref<200x128xi32, #tpu.memory_space<vmem>> -> memref<1x128xi32, #tpu.memory_space<vmem>>
      %dma_start3A_437 = tpu.memref_squeeze %dma_start3A_436 : memref<1x128xi32, #tpu.memory_space<vmem>> -> memref<128xi32, #tpu.memory_space<vmem>>
      %dma_start3A_438 = arith.constant 0 : i32
      %dma_start3A_439 = arith.constant 0 : i32
      %dma_start3A_440 = tpu.memref_slice %arg2[%dma_start3A_438, %dma_start3A_439] : memref<100000x64xf32, #tpu.memory_space<hbm>> -> memref<100000x64xf32, #tpu.memory_space<hbm>>
      tpu.enqueue_indirect_dma source(%dma_start3A_440 : memref<100000x64xf32, #tpu.memory_space<hbm>>) target(%arg10 : memref<128x64xf32, #tpu.memory_space<vmem>>) offsets(%dma_start3A_437 : memref<128xi32, #tpu.memory_space<vmem>>) semaphore(%arg18 : memref<!tpu.dma_semaphore, #tpu.memory_space<semaphore_mem>>)
      %dma_wait3A_441 = arith.constant 0 : i32
      %dma_wait3A_442 = arith.constant 0 : i32
      %dma_wait3A_443 = tpu.memref_slice %arg5[%dma_wait3A_441, %dma_wait3A_442] : memref<200x128xi32, #tpu.memory_space<vmem>> -> memref<1x128xi32, #tpu.memory_space<vmem>>
      %dma_wait3A_444 = tpu.memref_squeeze %dma_wait3A_443 : memref<1x128xi32, #tpu.memory_space<vmem>> -> memref<128xi32, #tpu.memory_space<vmem>>
      %dma_wait3A_445 = arith.constant 0 : i32
      %dma_wait3A_446 = arith.constant 0 : i32
      %dma_wait3A_447 = tpu.memref_slice %arg2[%dma_wait3A_445, %dma_wait3A_446] : memref<100000x64xf32, #tpu.memory_space<hbm>> -> memref<100000x64xf32, #tpu.memory_space<hbm>>
      tpu.wait_indirect_dma semaphore(%arg14 : memref<!tpu.dma_semaphore, #tpu.memory_space<semaphore_mem>>) src(%dma_wait3A_447 : memref<100000x64xf32, #tpu.memory_space<hbm>>) dst(%arg6 : memref<128x64xf32, #tpu.memory_space<vmem>>)
      %add3A_448 = arith.constant 0 : i32
      %add3A_449 = arith.addi %mul3A_424, %add3A_448 : i32
      %mul3A_450 = arith.constant 128 : i32
      %mul3A_451 = arith.muli %add3A_449, %mul3A_450 : i32
      %add3A_452 = arith.addi %mul3A_2, %mul3A_451 : i32
      %dma_start3A_453 = arith.constant 0 : i32
      %dma_start3A_454 = tpu.memref_slice %arg4[%add3A_452, %dma_start3A_453] : memref<819200x64xf32, #tpu.memory_space<hbm>> -> memref<128x64xf32, #tpu.memory_space<hbm>>
      %dma_start3A_455 = arith.constant 0 : i32
      %dma_start3A_456 = tpu.memref_slice %arg4[%add3A_452, %dma_start3A_455] : memref<819200x64xf32, #tpu.memory_space<hbm>> -> memref<128x64xf32, #tpu.memory_space<hbm>>
      tpu.enqueue_dma source(%arg6 : memref<128x64xf32, #tpu.memory_space<vmem>>) target(%dma_start3A_456 : memref<128x64xf32, #tpu.memory_space<hbm>>) target_semaphore(%arg22 : memref<!tpu.dma_semaphore, #tpu.memory_space<semaphore_mem>>)
      %dma_wait3A_457 = arith.constant 0 : i32
      %dma_wait3A_458 = arith.constant 0 : i32
      %dma_wait3A_459 = tpu.memref_slice %arg4[%dma_wait3A_457, %dma_wait3A_458] : memref<819200x64xf32, #tpu.memory_space<hbm>> -> memref<128x64xf32, #tpu.memory_space<hbm>>
      %dma_wait3A_460 = arith.constant 0 : i32
      %dma_wait3A_461 = arith.constant 0 : i32
      %dma_wait3A_462 = tpu.memref_slice %arg4[%dma_wait3A_460, %dma_wait3A_461] : memref<819200x64xf32, #tpu.memory_space<hbm>> -> memref<128x64xf32, #tpu.memory_space<hbm>>
      tpu.wait_dma2 semaphore(%arg27 : memref<!tpu.dma_semaphore, #tpu.memory_space<semaphore_mem>>) src(%arg11 : memref<128x64xf32, #tpu.memory_space<vmem>>) dst(%dma_wait3A_462 : memref<128x64xf32, #tpu.memory_space<hbm>>)
      %add3A_463 = arith.constant 1 : i32
      %add3A_464 = arith.addi %mul3A_424, %add3A_463 : i32
      %add3A_465 = arith.constant 4 : i32
      %add3A_466 = arith.addi %add3A_464, %add3A_465 : i32
      %dma_start3A_467 = arith.constant 0 : i32
      %dma_start3A_468 = tpu.memref_slice %arg5[%add3A_466, %dma_start3A_467] : memref<200x128xi32, #tpu.memory_space<vmem>> -> memref<1x128xi32, #tpu.memory_space<vmem>>
      %dma_start3A_469 = tpu.memref_squeeze %dma_start3A_468 : memref<1x128xi32, #tpu.memory_space<vmem>> -> memref<128xi32, #tpu.memory_space<vmem>>
      %dma_start3A_470 = arith.constant 0 : i32
      %dma_start3A_471 = arith.constant 0 : i32
      %dma_start3A_472 = tpu.memref_slice %arg2[%dma_start3A_470, %dma_start3A_471] : memref<100000x64xf32, #tpu.memory_space<hbm>> -> memref<100000x64xf32, #tpu.memory_space<hbm>>
      tpu.enqueue_indirect_dma source(%dma_start3A_472 : memref<100000x64xf32, #tpu.memory_space<hbm>>) target(%arg11 : memref<128x64xf32, #tpu.memory_space<vmem>>) offsets(%dma_start3A_469 : memref<128xi32, #tpu.memory_space<vmem>>) semaphore(%arg19 : memref<!tpu.dma_semaphore, #tpu.memory_space<semaphore_mem>>)
      %dma_wait3A_473 = arith.constant 0 : i32
      %dma_wait3A_474 = arith.constant 0 : i32
      %dma_wait3A_475 = tpu.memref_slice %arg5[%dma_wait3A_473, %dma_wait3A_474] : memref<200x128xi32, #tpu.memory_space<vmem>> -> memref<1x128xi32, #tpu.memory_space<vmem>>
      %dma_wait3A_476 = tpu.memref_squeeze %dma_wait3A_475 : memref<1x128xi32, #tpu.memory_space<vmem>> -> memref<128xi32, #tpu.memory_space<vmem>>
      %dma_wait3A_477 = arith.constant 0 : i32
      %dma_wait3A_478 = arith.constant 0 : i32
      %dma_wait3A_479 = tpu.memref_slice %arg2[%dma_wait3A_477, %dma_wait3A_478] : memref<100000x64xf32, #tpu.memory_space<hbm>> -> memref<100000x64xf32, #tpu.memory_space<hbm>>
      tpu.wait_indirect_dma semaphore(%arg15 : memref<!tpu.dma_semaphore, #tpu.memory_space<semaphore_mem>>) src(%dma_wait3A_479 : memref<100000x64xf32, #tpu.memory_space<hbm>>) dst(%arg7 : memref<128x64xf32, #tpu.memory_space<vmem>>)
      %add3A_480 = arith.constant 1 : i32
      %add3A_481 = arith.addi %mul3A_424, %add3A_480 : i32
      %mul3A_482 = arith.constant 128 : i32
      %mul3A_483 = arith.muli %add3A_481, %mul3A_482 : i32
      %add3A_484 = arith.addi %mul3A_2, %mul3A_483 : i32
      %dma_start3A_485 = arith.constant 0 : i32
      %dma_start3A_486 = tpu.memref_slice %arg4[%add3A_484, %dma_start3A_485] : memref<819200x64xf32, #tpu.memory_space<hbm>> -> memref<128x64xf32, #tpu.memory_space<hbm>>
      %dma_start3A_487 = arith.constant 0 : i32
      %dma_start3A_488 = tpu.memref_slice %arg4[%add3A_484, %dma_start3A_487] : memref<819200x64xf32, #tpu.memory_space<hbm>> -> memref<128x64xf32, #tpu.memory_space<hbm>>
      tpu.enqueue_dma source(%arg7 : memref<128x64xf32, #tpu.memory_space<vmem>>) target(%dma_start3A_488 : memref<128x64xf32, #tpu.memory_space<hbm>>) target_semaphore(%arg23 : memref<!tpu.dma_semaphore, #tpu.memory_space<semaphore_mem>>)
      %dma_wait3A_489 = arith.constant 0 : i32
      %dma_wait3A_490 = arith.constant 0 : i32
      %dma_wait3A_491 = tpu.memref_slice %arg4[%dma_wait3A_489, %dma_wait3A_490] : memref<819200x64xf32, #tpu.memory_space<hbm>> -> memref<128x64xf32, #tpu.memory_space<hbm>>
      %dma_wait3A_492 = arith.constant 0 : i32
      %dma_wait3A_493 = arith.constant 0 : i32
      %dma_wait3A_494 = tpu.memref_slice %arg4[%dma_wait3A_492, %dma_wait3A_493] : memref<819200x64xf32, #tpu.memory_space<hbm>> -> memref<128x64xf32, #tpu.memory_space<hbm>>
      tpu.wait_dma2 semaphore(%arg28 : memref<!tpu.dma_semaphore, #tpu.memory_space<semaphore_mem>>) src(%arg12 : memref<128x64xf32, #tpu.memory_space<vmem>>) dst(%dma_wait3A_494 : memref<128x64xf32, #tpu.memory_space<hbm>>)
      %add3A_495 = arith.constant 2 : i32
      %add3A_496 = arith.addi %mul3A_424, %add3A_495 : i32
      %add3A_497 = arith.constant 4 : i32
      %add3A_498 = arith.addi %add3A_496, %add3A_497 : i32
      %dma_start3A_499 = arith.constant 0 : i32
      %dma_start3A_500 = tpu.memref_slice %arg5[%add3A_498, %dma_start3A_499] : memref<200x128xi32, #tpu.memory_space<vmem>> -> memref<1x128xi32, #tpu.memory_space<vmem>>
      %dma_start3A_501 = tpu.memref_squeeze %dma_start3A_500 : memref<1x128xi32, #tpu.memory_space<vmem>> -> memref<128xi32, #tpu.memory_space<vmem>>
      %dma_start3A_502 = arith.constant 0 : i32
      %dma_start3A_503 = arith.constant 0 : i32
      %dma_start3A_504 = tpu.memref_slice %arg2[%dma_start3A_502, %dma_start3A_503] : memref<100000x64xf32, #tpu.memory_space<hbm>> -> memref<100000x64xf32, #tpu.memory_space<hbm>>
      tpu.enqueue_indirect_dma source(%dma_start3A_504 : memref<100000x64xf32, #tpu.memory_space<hbm>>) target(%arg12 : memref<128x64xf32, #tpu.memory_space<vmem>>) offsets(%dma_start3A_501 : memref<128xi32, #tpu.memory_space<vmem>>) semaphore(%arg20 : memref<!tpu.dma_semaphore, #tpu.memory_space<semaphore_mem>>)
      %dma_wait3A_505 = arith.constant 0 : i32
      %dma_wait3A_506 = arith.constant 0 : i32
      %dma_wait3A_507 = tpu.memref_slice %arg5[%dma_wait3A_505, %dma_wait3A_506] : memref<200x128xi32, #tpu.memory_space<vmem>> -> memref<1x128xi32, #tpu.memory_space<vmem>>
      %dma_wait3A_508 = tpu.memref_squeeze %dma_wait3A_507 : memref<1x128xi32, #tpu.memory_space<vmem>> -> memref<128xi32, #tpu.memory_space<vmem>>
      %dma_wait3A_509 = arith.constant 0 : i32
      %dma_wait3A_510 = arith.constant 0 : i32
      %dma_wait3A_511 = tpu.memref_slice %arg2[%dma_wait3A_509, %dma_wait3A_510] : memref<100000x64xf32, #tpu.memory_space<hbm>> -> memref<100000x64xf32, #tpu.memory_space<hbm>>
      tpu.wait_indirect_dma semaphore(%arg16 : memref<!tpu.dma_semaphore, #tpu.memory_space<semaphore_mem>>) src(%dma_wait3A_511 : memref<100000x64xf32, #tpu.memory_space<hbm>>) dst(%arg8 : memref<128x64xf32, #tpu.memory_space<vmem>>)
      %add3A_512 = arith.constant 2 : i32
      %add3A_513 = arith.addi %mul3A_424, %add3A_512 : i32
      %mul3A_514 = arith.constant 128 : i32
      %mul3A_515 = arith.muli %add3A_513, %mul3A_514 : i32
      %add3A_516 = arith.addi %mul3A_2, %mul3A_515 : i32
      %dma_start3A_517 = arith.constant 0 : i32
      %dma_start3A_518 = tpu.memref_slice %arg4[%add3A_516, %dma_start3A_517] : memref<819200x64xf32, #tpu.memory_space<hbm>> -> memref<128x64xf32, #tpu.memory_space<hbm>>
      %dma_start3A_519 = arith.constant 0 : i32
      %dma_start3A_520 = tpu.memref_slice %arg4[%add3A_516, %dma_start3A_519] : memref<819200x64xf32, #tpu.memory_space<hbm>> -> memref<128x64xf32, #tpu.memory_space<hbm>>
      tpu.enqueue_dma source(%arg8 : memref<128x64xf32, #tpu.memory_space<vmem>>) target(%dma_start3A_520 : memref<128x64xf32, #tpu.memory_space<hbm>>) target_semaphore(%arg24 : memref<!tpu.dma_semaphore, #tpu.memory_space<semaphore_mem>>)
      %dma_wait3A_521 = arith.constant 0 : i32
      %dma_wait3A_522 = arith.constant 0 : i32
      %dma_wait3A_523 = tpu.memref_slice %arg4[%dma_wait3A_521, %dma_wait3A_522] : memref<819200x64xf32, #tpu.memory_space<hbm>> -> memref<128x64xf32, #tpu.memory_space<hbm>>
      %dma_wait3A_524 = arith.constant 0 : i32
      %dma_wait3A_525 = arith.constant 0 : i32
      %dma_wait3A_526 = tpu.memref_slice %arg4[%dma_wait3A_524, %dma_wait3A_525] : memref<819200x64xf32, #tpu.memory_space<hbm>> -> memref<128x64xf32, #tpu.memory_space<hbm>>
      tpu.wait_dma2 semaphore(%arg29 : memref<!tpu.dma_semaphore, #tpu.memory_space<semaphore_mem>>) src(%arg13 : memref<128x64xf32, #tpu.memory_space<vmem>>) dst(%dma_wait3A_526 : memref<128x64xf32, #tpu.memory_space<hbm>>)
      %add3A_527 = arith.constant 3 : i32
      %add3A_528 = arith.addi %mul3A_424, %add3A_527 : i32
      %add3A_529 = arith.constant 4 : i32
      %add3A_530 = arith.addi %add3A_528, %add3A_529 : i32
      %dma_start3A_531 = arith.constant 0 : i32
      %dma_start3A_532 = tpu.memref_slice %arg5[%add3A_530, %dma_start3A_531] : memref<200x128xi32, #tpu.memory_space<vmem>> -> memref<1x128xi32, #tpu.memory_space<vmem>>
      %dma_start3A_533 = tpu.memref_squeeze %dma_start3A_532 : memref<1x128xi32, #tpu.memory_space<vmem>> -> memref<128xi32, #tpu.memory_space<vmem>>
      %dma_start3A_534 = arith.constant 0 : i32
      %dma_start3A_535 = arith.constant 0 : i32
      %dma_start3A_536 = tpu.memref_slice %arg2[%dma_start3A_534, %dma_start3A_535] : memref<100000x64xf32, #tpu.memory_space<hbm>> -> memref<100000x64xf32, #tpu.memory_space<hbm>>
      tpu.enqueue_indirect_dma source(%dma_start3A_536 : memref<100000x64xf32, #tpu.memory_space<hbm>>) target(%arg13 : memref<128x64xf32, #tpu.memory_space<vmem>>) offsets(%dma_start3A_533 : memref<128xi32, #tpu.memory_space<vmem>>) semaphore(%arg21 : memref<!tpu.dma_semaphore, #tpu.memory_space<semaphore_mem>>)
      %dma_wait3A_537 = arith.constant 0 : i32
      %dma_wait3A_538 = arith.constant 0 : i32
      %dma_wait3A_539 = tpu.memref_slice %arg5[%dma_wait3A_537, %dma_wait3A_538] : memref<200x128xi32, #tpu.memory_space<vmem>> -> memref<1x128xi32, #tpu.memory_space<vmem>>
      %dma_wait3A_540 = tpu.memref_squeeze %dma_wait3A_539 : memref<1x128xi32, #tpu.memory_space<vmem>> -> memref<128xi32, #tpu.memory_space<vmem>>
      %dma_wait3A_541 = arith.constant 0 : i32
      %dma_wait3A_542 = arith.constant 0 : i32
      %dma_wait3A_543 = tpu.memref_slice %arg2[%dma_wait3A_541, %dma_wait3A_542] : memref<100000x64xf32, #tpu.memory_space<hbm>> -> memref<100000x64xf32, #tpu.memory_space<hbm>>
      tpu.wait_indirect_dma semaphore(%arg17 : memref<!tpu.dma_semaphore, #tpu.memory_space<semaphore_mem>>) src(%dma_wait3A_543 : memref<100000x64xf32, #tpu.memory_space<hbm>>) dst(%arg9 : memref<128x64xf32, #tpu.memory_space<vmem>>)
      %add3A_544 = arith.constant 3 : i32
      %add3A_545 = arith.addi %mul3A_424, %add3A_544 : i32
      %mul3A_546 = arith.constant 128 : i32
      %mul3A_547 = arith.muli %add3A_545, %mul3A_546 : i32
      %add3A_548 = arith.addi %mul3A_2, %mul3A_547 : i32
      %dma_start3A_549 = arith.constant 0 : i32
      %dma_start3A_550 = tpu.memref_slice %arg4[%add3A_548, %dma_start3A_549] : memref<819200x64xf32, #tpu.memory_space<hbm>> -> memref<128x64xf32, #tpu.memory_space<hbm>>
      %dma_start3A_551 = arith.constant 0 : i32
      %dma_start3A_552 = tpu.memref_slice %arg4[%add3A_548, %dma_start3A_551] : memref<819200x64xf32, #tpu.memory_space<hbm>> -> memref<128x64xf32, #tpu.memory_space<hbm>>
      tpu.enqueue_dma source(%arg9 : memref<128x64xf32, #tpu.memory_space<vmem>>) target(%dma_start3A_552 : memref<128x64xf32, #tpu.memory_space<hbm>>) target_semaphore(%arg25 : memref<!tpu.dma_semaphore, #tpu.memory_space<semaphore_mem>>)
      %dma_wait3A_553 = arith.constant 0 : i32
      %dma_wait3A_554 = arith.constant 0 : i32
      %dma_wait3A_555 = tpu.memref_slice %arg4[%dma_wait3A_553, %dma_wait3A_554] : memref<819200x64xf32, #tpu.memory_space<hbm>> -> memref<128x64xf32, #tpu.memory_space<hbm>>
      %dma_wait3A_556 = arith.constant 0 : i32
      %dma_wait3A_557 = arith.constant 0 : i32
      %dma_wait3A_558 = tpu.memref_slice %arg4[%dma_wait3A_556, %dma_wait3A_557] : memref<819200x64xf32, #tpu.memory_space<hbm>> -> memref<128x64xf32, #tpu.memory_space<hbm>>
      tpu.wait_dma2 semaphore(%arg22 : memref<!tpu.dma_semaphore, #tpu.memory_space<semaphore_mem>>) src(%arg6 : memref<128x64xf32, #tpu.memory_space<vmem>>) dst(%dma_wait3A_558 : memref<128x64xf32, #tpu.memory_space<hbm>>)
      %add3A_559 = arith.constant 4 : i32
      %add3A_560 = arith.addi %mul3A_424, %add3A_559 : i32
      %add3A_561 = arith.constant 4 : i32
      %add3A_562 = arith.addi %add3A_560, %add3A_561 : i32
      %dma_start3A_563 = arith.constant 0 : i32
      %dma_start3A_564 = tpu.memref_slice %arg5[%add3A_562, %dma_start3A_563] : memref<200x128xi32, #tpu.memory_space<vmem>> -> memref<1x128xi32, #tpu.memory_space<vmem>>
      %dma_start3A_565 = tpu.memref_squeeze %dma_start3A_564 : memref<1x128xi32, #tpu.memory_space<vmem>> -> memref<128xi32, #tpu.memory_space<vmem>>
      %dma_start3A_566 = arith.constant 0 : i32
      %dma_start3A_567 = arith.constant 0 : i32
      %dma_start3A_568 = tpu.memref_slice %arg2[%dma_start3A_566, %dma_start3A_567] : memref<100000x64xf32, #tpu.memory_space<hbm>> -> memref<100000x64xf32, #tpu.memory_space<hbm>>
      tpu.enqueue_indirect_dma source(%dma_start3A_568 : memref<100000x64xf32, #tpu.memory_space<hbm>>) target(%arg6 : memref<128x64xf32, #tpu.memory_space<vmem>>) offsets(%dma_start3A_565 : memref<128xi32, #tpu.memory_space<vmem>>) semaphore(%arg14 : memref<!tpu.dma_semaphore, #tpu.memory_space<semaphore_mem>>)
      %dma_wait3A_569 = arith.constant 0 : i32
      %dma_wait3A_570 = arith.constant 0 : i32
      %dma_wait3A_571 = tpu.memref_slice %arg5[%dma_wait3A_569, %dma_wait3A_570] : memref<200x128xi32, #tpu.memory_space<vmem>> -> memref<1x128xi32, #tpu.memory_space<vmem>>
      %dma_wait3A_572 = tpu.memref_squeeze %dma_wait3A_571 : memref<1x128xi32, #tpu.memory_space<vmem>> -> memref<128xi32, #tpu.memory_space<vmem>>
      %dma_wait3A_573 = arith.constant 0 : i32
      %dma_wait3A_574 = arith.constant 0 : i32
      %dma_wait3A_575 = tpu.memref_slice %arg2[%dma_wait3A_573, %dma_wait3A_574] : memref<100000x64xf32, #tpu.memory_space<hbm>> -> memref<100000x64xf32, #tpu.memory_space<hbm>>
      tpu.wait_indirect_dma semaphore(%arg18 : memref<!tpu.dma_semaphore, #tpu.memory_space<semaphore_mem>>) src(%dma_wait3A_575 : memref<100000x64xf32, #tpu.memory_space<hbm>>) dst(%arg10 : memref<128x64xf32, #tpu.memory_space<vmem>>)
      %add3A_576 = arith.constant 4 : i32
      %add3A_577 = arith.addi %mul3A_424, %add3A_576 : i32
      %mul3A_578 = arith.constant 128 : i32
      %mul3A_579 = arith.muli %add3A_577, %mul3A_578 : i32
      %add3A_580 = arith.addi %mul3A_2, %mul3A_579 : i32
      %dma_start3A_581 = arith.constant 0 : i32
      %dma_start3A_582 = tpu.memref_slice %arg4[%add3A_580, %dma_start3A_581] : memref<819200x64xf32, #tpu.memory_space<hbm>> -> memref<128x64xf32, #tpu.memory_space<hbm>>
      %dma_start3A_583 = arith.constant 0 : i32
      %dma_start3A_584 = tpu.memref_slice %arg4[%add3A_580, %dma_start3A_583] : memref<819200x64xf32, #tpu.memory_space<hbm>> -> memref<128x64xf32, #tpu.memory_space<hbm>>
      tpu.enqueue_dma source(%arg10 : memref<128x64xf32, #tpu.memory_space<vmem>>) target(%dma_start3A_584 : memref<128x64xf32, #tpu.memory_space<hbm>>) target_semaphore(%arg26 : memref<!tpu.dma_semaphore, #tpu.memory_space<semaphore_mem>>)
      %dma_wait3A_585 = arith.constant 0 : i32
      %dma_wait3A_586 = arith.constant 0 : i32
      %dma_wait3A_587 = tpu.memref_slice %arg4[%dma_wait3A_585, %dma_wait3A_586] : memref<819200x64xf32, #tpu.memory_space<hbm>> -> memref<128x64xf32, #tpu.memory_space<hbm>>
      %dma_wait3A_588 = arith.constant 0 : i32
      %dma_wait3A_589 = arith.constant 0 : i32
      %dma_wait3A_590 = tpu.memref_slice %arg4[%dma_wait3A_588, %dma_wait3A_589] : memref<819200x64xf32, #tpu.memory_space<hbm>> -> memref<128x64xf32, #tpu.memory_space<hbm>>
      tpu.wait_dma2 semaphore(%arg23 : memref<!tpu.dma_semaphore, #tpu.memory_space<semaphore_mem>>) src(%arg7 : memref<128x64xf32, #tpu.memory_space<vmem>>) dst(%dma_wait3A_590 : memref<128x64xf32, #tpu.memory_space<hbm>>)
      %add3A_591 = arith.constant 5 : i32
      %add3A_592 = arith.addi %mul3A_424, %add3A_591 : i32
      %add3A_593 = arith.constant 4 : i32
      %add3A_594 = arith.addi %add3A_592, %add3A_593 : i32
      %dma_start3A_595 = arith.constant 0 : i32
      %dma_start3A_596 = tpu.memref_slice %arg5[%add3A_594, %dma_start3A_595] : memref<200x128xi32, #tpu.memory_space<vmem>> -> memref<1x128xi32, #tpu.memory_space<vmem>>
      %dma_start3A_597 = tpu.memref_squeeze %dma_start3A_596 : memref<1x128xi32, #tpu.memory_space<vmem>> -> memref<128xi32, #tpu.memory_space<vmem>>
      %dma_start3A_598 = arith.constant 0 : i32
      %dma_start3A_599 = arith.constant 0 : i32
      %dma_start3A_600 = tpu.memref_slice %arg2[%dma_start3A_598, %dma_start3A_599] : memref<100000x64xf32, #tpu.memory_space<hbm>> -> memref<100000x64xf32, #tpu.memory_space<hbm>>
      tpu.enqueue_indirect_dma source(%dma_start3A_600 : memref<100000x64xf32, #tpu.memory_space<hbm>>) target(%arg7 : memref<128x64xf32, #tpu.memory_space<vmem>>) offsets(%dma_start3A_597 : memref<128xi32, #tpu.memory_space<vmem>>) semaphore(%arg15 : memref<!tpu.dma_semaphore, #tpu.memory_space<semaphore_mem>>)
      %dma_wait3A_601 = arith.constant 0 : i32
      %dma_wait3A_602 = arith.constant 0 : i32
      %dma_wait3A_603 = tpu.memref_slice %arg5[%dma_wait3A_601, %dma_wait3A_602] : memref<200x128xi32, #tpu.memory_space<vmem>> -> memref<1x128xi32, #tpu.memory_space<vmem>>
      %dma_wait3A_604 = tpu.memref_squeeze %dma_wait3A_603 : memref<1x128xi32, #tpu.memory_space<vmem>> -> memref<128xi32, #tpu.memory_space<vmem>>
      %dma_wait3A_605 = arith.constant 0 : i32
      %dma_wait3A_606 = arith.constant 0 : i32
      %dma_wait3A_607 = tpu.memref_slice %arg2[%dma_wait3A_605, %dma_wait3A_606] : memref<100000x64xf32, #tpu.memory_space<hbm>> -> memref<100000x64xf32, #tpu.memory_space<hbm>>
      tpu.wait_indirect_dma semaphore(%arg19 : memref<!tpu.dma_semaphore, #tpu.memory_space<semaphore_mem>>) src(%dma_wait3A_607 : memref<100000x64xf32, #tpu.memory_space<hbm>>) dst(%arg11 : memref<128x64xf32, #tpu.memory_space<vmem>>)
      %add3A_608 = arith.constant 5 : i32
      %add3A_609 = arith.addi %mul3A_424, %add3A_608 : i32
      %mul3A_610 = arith.constant 128 : i32
      %mul3A_611 = arith.muli %add3A_609, %mul3A_610 : i32
      %add3A_612 = arith.addi %mul3A_2, %mul3A_611 : i32
      %dma_start3A_613 = arith.constant 0 : i32
      %dma_start3A_614 = tpu.memref_slice %arg4[%add3A_612, %dma_start3A_613] : memref<819200x64xf32, #tpu.memory_space<hbm>> -> memref<128x64xf32, #tpu.memory_space<hbm>>
      %dma_start3A_615 = arith.constant 0 : i32
      %dma_start3A_616 = tpu.memref_slice %arg4[%add3A_612, %dma_start3A_615] : memref<819200x64xf32, #tpu.memory_space<hbm>> -> memref<128x64xf32, #tpu.memory_space<hbm>>
      tpu.enqueue_dma source(%arg11 : memref<128x64xf32, #tpu.memory_space<vmem>>) target(%dma_start3A_616 : memref<128x64xf32, #tpu.memory_space<hbm>>) target_semaphore(%arg27 : memref<!tpu.dma_semaphore, #tpu.memory_space<semaphore_mem>>)
      %dma_wait3A_617 = arith.constant 0 : i32
      %dma_wait3A_618 = arith.constant 0 : i32
      %dma_wait3A_619 = tpu.memref_slice %arg4[%dma_wait3A_617, %dma_wait3A_618] : memref<819200x64xf32, #tpu.memory_space<hbm>> -> memref<128x64xf32, #tpu.memory_space<hbm>>
      %dma_wait3A_620 = arith.constant 0 : i32
      %dma_wait3A_621 = arith.constant 0 : i32
      %dma_wait3A_622 = tpu.memref_slice %arg4[%dma_wait3A_620, %dma_wait3A_621] : memref<819200x64xf32, #tpu.memory_space<hbm>> -> memref<128x64xf32, #tpu.memory_space<hbm>>
      tpu.wait_dma2 semaphore(%arg24 : memref<!tpu.dma_semaphore, #tpu.memory_space<semaphore_mem>>) src(%arg8 : memref<128x64xf32, #tpu.memory_space<vmem>>) dst(%dma_wait3A_622 : memref<128x64xf32, #tpu.memory_space<hbm>>)
      %add3A_623 = arith.constant 6 : i32
      %add3A_624 = arith.addi %mul3A_424, %add3A_623 : i32
      %add3A_625 = arith.constant 4 : i32
      %add3A_626 = arith.addi %add3A_624, %add3A_625 : i32
      %dma_start3A_627 = arith.constant 0 : i32
      %dma_start3A_628 = tpu.memref_slice %arg5[%add3A_626, %dma_start3A_627] : memref<200x128xi32, #tpu.memory_space<vmem>> -> memref<1x128xi32, #tpu.memory_space<vmem>>
      %dma_start3A_629 = tpu.memref_squeeze %dma_start3A_628 : memref<1x128xi32, #tpu.memory_space<vmem>> -> memref<128xi32, #tpu.memory_space<vmem>>
      %dma_start3A_630 = arith.constant 0 : i32
      %dma_start3A_631 = arith.constant 0 : i32
      %dma_start3A_632 = tpu.memref_slice %arg2[%dma_start3A_630, %dma_start3A_631] : memref<100000x64xf32, #tpu.memory_space<hbm>> -> memref<100000x64xf32, #tpu.memory_space<hbm>>
      tpu.enqueue_indirect_dma source(%dma_start3A_632 : memref<100000x64xf32, #tpu.memory_space<hbm>>) target(%arg8 : memref<128x64xf32, #tpu.memory_space<vmem>>) offsets(%dma_start3A_629 : memref<128xi32, #tpu.memory_space<vmem>>) semaphore(%arg16 : memref<!tpu.dma_semaphore, #tpu.memory_space<semaphore_mem>>)
      %dma_wait3A_633 = arith.constant 0 : i32
      %dma_wait3A_634 = arith.constant 0 : i32
      %dma_wait3A_635 = tpu.memref_slice %arg5[%dma_wait3A_633, %dma_wait3A_634] : memref<200x128xi32, #tpu.memory_space<vmem>> -> memref<1x128xi32, #tpu.memory_space<vmem>>
      %dma_wait3A_636 = tpu.memref_squeeze %dma_wait3A_635 : memref<1x128xi32, #tpu.memory_space<vmem>> -> memref<128xi32, #tpu.memory_space<vmem>>
      %dma_wait3A_637 = arith.constant 0 : i32
      %dma_wait3A_638 = arith.constant 0 : i32
      %dma_wait3A_639 = tpu.memref_slice %arg2[%dma_wait3A_637, %dma_wait3A_638] : memref<100000x64xf32, #tpu.memory_space<hbm>> -> memref<100000x64xf32, #tpu.memory_space<hbm>>
      tpu.wait_indirect_dma semaphore(%arg20 : memref<!tpu.dma_semaphore, #tpu.memory_space<semaphore_mem>>) src(%dma_wait3A_639 : memref<100000x64xf32, #tpu.memory_space<hbm>>) dst(%arg12 : memref<128x64xf32, #tpu.memory_space<vmem>>)
      %add3A_640 = arith.constant 6 : i32
      %add3A_641 = arith.addi %mul3A_424, %add3A_640 : i32
      %mul3A_642 = arith.constant 128 : i32
      %mul3A_643 = arith.muli %add3A_641, %mul3A_642 : i32
      %add3A_644 = arith.addi %mul3A_2, %mul3A_643 : i32
      %dma_start3A_645 = arith.constant 0 : i32
      %dma_start3A_646 = tpu.memref_slice %arg4[%add3A_644, %dma_start3A_645] : memref<819200x64xf32, #tpu.memory_space<hbm>> -> memref<128x64xf32, #tpu.memory_space<hbm>>
      %dma_start3A_647 = arith.constant 0 : i32
      %dma_start3A_648 = tpu.memref_slice %arg4[%add3A_644, %dma_start3A_647] : memref<819200x64xf32, #tpu.memory_space<hbm>> -> memref<128x64xf32, #tpu.memory_space<hbm>>
      tpu.enqueue_dma source(%arg12 : memref<128x64xf32, #tpu.memory_space<vmem>>) target(%dma_start3A_648 : memref<128x64xf32, #tpu.memory_space<hbm>>) target_semaphore(%arg28 : memref<!tpu.dma_semaphore, #tpu.memory_space<semaphore_mem>>)
      %dma_wait3A_649 = arith.constant 0 : i32
      %dma_wait3A_650 = arith.constant 0 : i32
      %dma_wait3A_651 = tpu.memref_slice %arg4[%dma_wait3A_649, %dma_wait3A_650] : memref<819200x64xf32, #tpu.memory_space<hbm>> -> memref<128x64xf32, #tpu.memory_space<hbm>>
      %dma_wait3A_652 = arith.constant 0 : i32
      %dma_wait3A_653 = arith.constant 0 : i32
      %dma_wait3A_654 = tpu.memref_slice %arg4[%dma_wait3A_652, %dma_wait3A_653] : memref<819200x64xf32, #tpu.memory_space<hbm>> -> memref<128x64xf32, #tpu.memory_space<hbm>>
      tpu.wait_dma2 semaphore(%arg25 : memref<!tpu.dma_semaphore, #tpu.memory_space<semaphore_mem>>) src(%arg9 : memref<128x64xf32, #tpu.memory_space<vmem>>) dst(%dma_wait3A_654 : memref<128x64xf32, #tpu.memory_space<hbm>>)
      %add3A_655 = arith.constant 7 : i32
      %add3A_656 = arith.addi %mul3A_424, %add3A_655 : i32
      %add3A_657 = arith.constant 4 : i32
      %add3A_658 = arith.addi %add3A_656, %add3A_657 : i32
      %dma_start3A_659 = arith.constant 0 : i32
      %dma_start3A_660 = tpu.memref_slice %arg5[%add3A_658, %dma_start3A_659] : memref<200x128xi32, #tpu.memory_space<vmem>> -> memref<1x128xi32, #tpu.memory_space<vmem>>
      %dma_start3A_661 = tpu.memref_squeeze %dma_start3A_660 : memref<1x128xi32, #tpu.memory_space<vmem>> -> memref<128xi32, #tpu.memory_space<vmem>>
      %dma_start3A_662 = arith.constant 0 : i32
      %dma_start3A_663 = arith.constant 0 : i32
      %dma_start3A_664 = tpu.memref_slice %arg2[%dma_start3A_662, %dma_start3A_663] : memref<100000x64xf32, #tpu.memory_space<hbm>> -> memref<100000x64xf32, #tpu.memory_space<hbm>>
      tpu.enqueue_indirect_dma source(%dma_start3A_664 : memref<100000x64xf32, #tpu.memory_space<hbm>>) target(%arg9 : memref<128x64xf32, #tpu.memory_space<vmem>>) offsets(%dma_start3A_661 : memref<128xi32, #tpu.memory_space<vmem>>) semaphore(%arg17 : memref<!tpu.dma_semaphore, #tpu.memory_space<semaphore_mem>>)
      %dma_wait3A_665 = arith.constant 0 : i32
      %dma_wait3A_666 = arith.constant 0 : i32
      %dma_wait3A_667 = tpu.memref_slice %arg5[%dma_wait3A_665, %dma_wait3A_666] : memref<200x128xi32, #tpu.memory_space<vmem>> -> memref<1x128xi32, #tpu.memory_space<vmem>>
      %dma_wait3A_668 = tpu.memref_squeeze %dma_wait3A_667 : memref<1x128xi32, #tpu.memory_space<vmem>> -> memref<128xi32, #tpu.memory_space<vmem>>
      %dma_wait3A_669 = arith.constant 0 : i32
      %dma_wait3A_670 = arith.constant 0 : i32
      %dma_wait3A_671 = tpu.memref_slice %arg2[%dma_wait3A_669, %dma_wait3A_670] : memref<100000x64xf32, #tpu.memory_space<hbm>> -> memref<100000x64xf32, #tpu.memory_space<hbm>>
      tpu.wait_indirect_dma semaphore(%arg21 : memref<!tpu.dma_semaphore, #tpu.memory_space<semaphore_mem>>) src(%dma_wait3A_671 : memref<100000x64xf32, #tpu.memory_space<hbm>>) dst(%arg13 : memref<128x64xf32, #tpu.memory_space<vmem>>)
      %add3A_672 = arith.constant 7 : i32
      %add3A_673 = arith.addi %mul3A_424, %add3A_672 : i32
      %mul3A_674 = arith.constant 128 : i32
      %mul3A_675 = arith.muli %add3A_673, %mul3A_674 : i32
      %add3A_676 = arith.addi %mul3A_2, %mul3A_675 : i32
      %dma_start3A_677 = arith.constant 0 : i32
      %dma_start3A_678 = tpu.memref_slice %arg4[%add3A_676, %dma_start3A_677] : memref<819200x64xf32, #tpu.memory_space<hbm>> -> memref<128x64xf32, #tpu.memory_space<hbm>>
      %dma_start3A_679 = arith.constant 0 : i32
      %dma_start3A_680 = tpu.memref_slice %arg4[%add3A_676, %dma_start3A_679] : memref<819200x64xf32, #tpu.memory_space<hbm>> -> memref<128x64xf32, #tpu.memory_space<hbm>>
      tpu.enqueue_dma source(%arg13 : memref<128x64xf32, #tpu.memory_space<vmem>>) target(%dma_start3A_680 : memref<128x64xf32, #tpu.memory_space<hbm>>) target_semaphore(%arg29 : memref<!tpu.dma_semaphore, #tpu.memory_space<semaphore_mem>>)
    }
    %scan3A_217 = arith.constant 23 : i32
    %dma_wait3A_218 = arith.constant 0 : i32
    %dma_wait3A_219 = arith.constant 0 : i32
    %dma_wait3A_220 = tpu.memref_slice %arg4[%dma_wait3A_218, %dma_wait3A_219] : memref<819200x64xf32, #tpu.memory_space<hbm>> -> memref<128x64xf32, #tpu.memory_space<hbm>>
    %dma_wait3A_221 = arith.constant 0 : i32
    %dma_wait3A_222 = arith.constant 0 : i32
    %dma_wait3A_223 = tpu.memref_slice %arg4[%dma_wait3A_221, %dma_wait3A_222] : memref<819200x64xf32, #tpu.memory_space<hbm>> -> memref<128x64xf32, #tpu.memory_space<hbm>>
    tpu.wait_dma2 semaphore(%arg26 : memref<!tpu.dma_semaphore, #tpu.memory_space<semaphore_mem>>) src(%arg10 : memref<128x64xf32, #tpu.memory_space<vmem>>) dst(%dma_wait3A_223 : memref<128x64xf32, #tpu.memory_space<hbm>>)
    %dma_start3A_224 = arith.constant 196 : i32
    %dma_start3A_225 = arith.constant 0 : i32
    %dma_start3A_226 = tpu.memref_slice %arg5[%dma_start3A_224, %dma_start3A_225] : memref<200x128xi32, #tpu.memory_space<vmem>> -> memref<1x128xi32, #tpu.memory_space<vmem>>
    %dma_start3A_227 = tpu.memref_squeeze %dma_start3A_226 : memref<1x128xi32, #tpu.memory_space<vmem>> -> memref<128xi32, #tpu.memory_space<vmem>>
    %dma_start3A_228 = arith.constant 0 : i32
    %dma_start3A_229 = arith.constant 0 : i32
    %dma_start3A_230 = tpu.memref_slice %arg2[%dma_start3A_228, %dma_start3A_229] : memref<100000x64xf32, #tpu.memory_space<hbm>> -> memref<100000x64xf32, #tpu.memory_space<hbm>>
    tpu.enqueue_indirect_dma source(%dma_start3A_230 : memref<100000x64xf32, #tpu.memory_space<hbm>>) target(%arg10 : memref<128x64xf32, #tpu.memory_space<vmem>>) offsets(%dma_start3A_227 : memref<128xi32, #tpu.memory_space<vmem>>) semaphore(%arg18 : memref<!tpu.dma_semaphore, #tpu.memory_space<semaphore_mem>>)
    %dma_wait3A_231 = arith.constant 0 : i32
    %dma_wait3A_232 = arith.constant 0 : i32
    %dma_wait3A_233 = tpu.memref_slice %arg5[%dma_wait3A_231, %dma_wait3A_232] : memref<200x128xi32, #tpu.memory_space<vmem>> -> memref<1x128xi32, #tpu.memory_space<vmem>>
    %dma_wait3A_234 = tpu.memref_squeeze %dma_wait3A_233 : memref<1x128xi32, #tpu.memory_space<vmem>> -> memref<128xi32, #tpu.memory_space<vmem>>
    %dma_wait3A_235 = arith.constant 0 : i32
    %dma_wait3A_236 = arith.constant 0 : i32
    %dma_wait3A_237 = tpu.memref_slice %arg2[%dma_wait3A_235, %dma_wait3A_236] : memref<100000x64xf32, #tpu.memory_space<hbm>> -> memref<100000x64xf32, #tpu.memory_space<hbm>>
    tpu.wait_indirect_dma semaphore(%arg14 : memref<!tpu.dma_semaphore, #tpu.memory_space<semaphore_mem>>) src(%dma_wait3A_237 : memref<100000x64xf32, #tpu.memory_space<hbm>>) dst(%arg6 : memref<128x64xf32, #tpu.memory_space<vmem>>)
    %add3A_238 = arith.constant 24576 : i32
    %add3A_239 = arith.addi %mul3A_2, %add3A_238 : i32
    %dma_start3A_240 = arith.constant 0 : i32
    %dma_start3A_241 = tpu.memref_slice %arg4[%add3A_239, %dma_start3A_240] : memref<819200x64xf32, #tpu.memory_space<hbm>> -> memref<128x64xf32, #tpu.memory_space<hbm>>
    %dma_start3A_242 = arith.constant 0 : i32
    %dma_start3A_243 = tpu.memref_slice %arg4[%add3A_239, %dma_start3A_242] : memref<819200x64xf32, #tpu.memory_space<hbm>> -> memref<128x64xf32, #tpu.memory_space<hbm>>
    tpu.enqueue_dma source(%arg6 : memref<128x64xf32, #tpu.memory_space<vmem>>) target(%dma_start3A_243 : memref<128x64xf32, #tpu.memory_space<hbm>>) target_semaphore(%arg22 : memref<!tpu.dma_semaphore, #tpu.memory_space<semaphore_mem>>)
    %dma_wait3A_244 = arith.constant 0 : i32
    %dma_wait3A_245 = arith.constant 0 : i32
    %dma_wait3A_246 = tpu.memref_slice %arg4[%dma_wait3A_244, %dma_wait3A_245] : memref<819200x64xf32, #tpu.memory_space<hbm>> -> memref<128x64xf32, #tpu.memory_space<hbm>>
    %dma_wait3A_247 = arith.constant 0 : i32
    %dma_wait3A_248 = arith.constant 0 : i32
    %dma_wait3A_249 = tpu.memref_slice %arg4[%dma_wait3A_247, %dma_wait3A_248] : memref<819200x64xf32, #tpu.memory_space<hbm>> -> memref<128x64xf32, #tpu.memory_space<hbm>>
    tpu.wait_dma2 semaphore(%arg27 : memref<!tpu.dma_semaphore, #tpu.memory_space<semaphore_mem>>) src(%arg11 : memref<128x64xf32, #tpu.memory_space<vmem>>) dst(%dma_wait3A_249 : memref<128x64xf32, #tpu.memory_space<hbm>>)
    %dma_start3A_250 = arith.constant 197 : i32
    %dma_start3A_251 = arith.constant 0 : i32
    %dma_start3A_252 = tpu.memref_slice %arg5[%dma_start3A_250, %dma_start3A_251] : memref<200x128xi32, #tpu.memory_space<vmem>> -> memref<1x128xi32, #tpu.memory_space<vmem>>
    %dma_start3A_253 = tpu.memref_squeeze %dma_start3A_252 : memref<1x128xi32, #tpu.memory_space<vmem>> -> memref<128xi32, #tpu.memory_space<vmem>>
    %dma_start3A_254 = arith.constant 0 : i32
    %dma_start3A_255 = arith.constant 0 : i32
    %dma_start3A_256 = tpu.memref_slice %arg2[%dma_start3A_254, %dma_start3A_255] : memref<100000x64xf32, #tpu.memory_space<hbm>> -> memref<100000x64xf32, #tpu.memory_space<hbm>>
    tpu.enqueue_indirect_dma source(%dma_start3A_256 : memref<100000x64xf32, #tpu.memory_space<hbm>>) target(%arg11 : memref<128x64xf32, #tpu.memory_space<vmem>>) offsets(%dma_start3A_253 : memref<128xi32, #tpu.memory_space<vmem>>) semaphore(%arg19 : memref<!tpu.dma_semaphore, #tpu.memory_space<semaphore_mem>>)
    %dma_wait3A_257 = arith.constant 0 : i32
    %dma_wait3A_258 = arith.constant 0 : i32
    %dma_wait3A_259 = tpu.memref_slice %arg5[%dma_wait3A_257, %dma_wait3A_258] : memref<200x128xi32, #tpu.memory_space<vmem>> -> memref<1x128xi32, #tpu.memory_space<vmem>>
    %dma_wait3A_260 = tpu.memref_squeeze %dma_wait3A_259 : memref<1x128xi32, #tpu.memory_space<vmem>> -> memref<128xi32, #tpu.memory_space<vmem>>
    %dma_wait3A_261 = arith.constant 0 : i32
    %dma_wait3A_262 = arith.constant 0 : i32
    %dma_wait3A_263 = tpu.memref_slice %arg2[%dma_wait3A_261, %dma_wait3A_262] : memref<100000x64xf32, #tpu.memory_space<hbm>> -> memref<100000x64xf32, #tpu.memory_space<hbm>>
    tpu.wait_indirect_dma semaphore(%arg15 : memref<!tpu.dma_semaphore, #tpu.memory_space<semaphore_mem>>) src(%dma_wait3A_263 : memref<100000x64xf32, #tpu.memory_space<hbm>>) dst(%arg7 : memref<128x64xf32, #tpu.memory_space<vmem>>)
    %add3A_264 = arith.constant 24704 : i32
    %add3A_265 = arith.addi %mul3A_2, %add3A_264 : i32
    %dma_start3A_266 = arith.constant 0 : i32
    %dma_start3A_267 = tpu.memref_slice %arg4[%add3A_265, %dma_start3A_266] : memref<819200x64xf32, #tpu.memory_space<hbm>> -> memref<128x64xf32, #tpu.memory_space<hbm>>
    %dma_start3A_268 = arith.constant 0 : i32
    %dma_start3A_269 = tpu.memref_slice %arg4[%add3A_265, %dma_start3A_268] : memref<819200x64xf32, #tpu.memory_space<hbm>> -> memref<128x64xf32, #tpu.memory_space<hbm>>
    tpu.enqueue_dma source(%arg7 : memref<128x64xf32, #tpu.memory_space<vmem>>) target(%dma_start3A_269 : memref<128x64xf32, #tpu.memory_space<hbm>>) target_semaphore(%arg23 : memref<!tpu.dma_semaphore, #tpu.memory_space<semaphore_mem>>)
    %dma_wait3A_270 = arith.constant 0 : i32
    %dma_wait3A_271 = arith.constant 0 : i32
    %dma_wait3A_272 = tpu.memref_slice %arg4[%dma_wait3A_270, %dma_wait3A_271] : memref<819200x64xf32, #tpu.memory_space<hbm>> -> memref<128x64xf32, #tpu.memory_space<hbm>>
    %dma_wait3A_273 = arith.constant 0 : i32
    %dma_wait3A_274 = arith.constant 0 : i32
    %dma_wait3A_275 = tpu.memref_slice %arg4[%dma_wait3A_273, %dma_wait3A_274] : memref<819200x64xf32, #tpu.memory_space<hbm>> -> memref<128x64xf32, #tpu.memory_space<hbm>>
    tpu.wait_dma2 semaphore(%arg28 : memref<!tpu.dma_semaphore, #tpu.memory_space<semaphore_mem>>) src(%arg12 : memref<128x64xf32, #tpu.memory_space<vmem>>) dst(%dma_wait3A_275 : memref<128x64xf32, #tpu.memory_space<hbm>>)
    %dma_start3A_276 = arith.constant 198 : i32
    %dma_start3A_277 = arith.constant 0 : i32
    %dma_start3A_278 = tpu.memref_slice %arg5[%dma_start3A_276, %dma_start3A_277] : memref<200x128xi32, #tpu.memory_space<vmem>> -> memref<1x128xi32, #tpu.memory_space<vmem>>
    %dma_start3A_279 = tpu.memref_squeeze %dma_start3A_278 : memref<1x128xi32, #tpu.memory_space<vmem>> -> memref<128xi32, #tpu.memory_space<vmem>>
    %dma_start3A_280 = arith.constant 0 : i32
    %dma_start3A_281 = arith.constant 0 : i32
    %dma_start3A_282 = tpu.memref_slice %arg2[%dma_start3A_280, %dma_start3A_281] : memref<100000x64xf32, #tpu.memory_space<hbm>> -> memref<100000x64xf32, #tpu.memory_space<hbm>>
    tpu.enqueue_indirect_dma source(%dma_start3A_282 : memref<100000x64xf32, #tpu.memory_space<hbm>>) target(%arg12 : memref<128x64xf32, #tpu.memory_space<vmem>>) offsets(%dma_start3A_279 : memref<128xi32, #tpu.memory_space<vmem>>) semaphore(%arg20 : memref<!tpu.dma_semaphore, #tpu.memory_space<semaphore_mem>>)
    %dma_wait3A_283 = arith.constant 0 : i32
    %dma_wait3A_284 = arith.constant 0 : i32
    %dma_wait3A_285 = tpu.memref_slice %arg5[%dma_wait3A_283, %dma_wait3A_284] : memref<200x128xi32, #tpu.memory_space<vmem>> -> memref<1x128xi32, #tpu.memory_space<vmem>>
    %dma_wait3A_286 = tpu.memref_squeeze %dma_wait3A_285 : memref<1x128xi32, #tpu.memory_space<vmem>> -> memref<128xi32, #tpu.memory_space<vmem>>
    %dma_wait3A_287 = arith.constant 0 : i32
    %dma_wait3A_288 = arith.constant 0 : i32
    %dma_wait3A_289 = tpu.memref_slice %arg2[%dma_wait3A_287, %dma_wait3A_288] : memref<100000x64xf32, #tpu.memory_space<hbm>> -> memref<100000x64xf32, #tpu.memory_space<hbm>>
    tpu.wait_indirect_dma semaphore(%arg16 : memref<!tpu.dma_semaphore, #tpu.memory_space<semaphore_mem>>) src(%dma_wait3A_289 : memref<100000x64xf32, #tpu.memory_space<hbm>>) dst(%arg8 : memref<128x64xf32, #tpu.memory_space<vmem>>)
    %add3A_290 = arith.constant 24832 : i32
    %add3A_291 = arith.addi %mul3A_2, %add3A_290 : i32
    %dma_start3A_292 = arith.constant 0 : i32
    %dma_start3A_293 = tpu.memref_slice %arg4[%add3A_291, %dma_start3A_292] : memref<819200x64xf32, #tpu.memory_space<hbm>> -> memref<128x64xf32, #tpu.memory_space<hbm>>
    %dma_start3A_294 = arith.constant 0 : i32
    %dma_start3A_295 = tpu.memref_slice %arg4[%add3A_291, %dma_start3A_294] : memref<819200x64xf32, #tpu.memory_space<hbm>> -> memref<128x64xf32, #tpu.memory_space<hbm>>
    tpu.enqueue_dma source(%arg8 : memref<128x64xf32, #tpu.memory_space<vmem>>) target(%dma_start3A_295 : memref<128x64xf32, #tpu.memory_space<hbm>>) target_semaphore(%arg24 : memref<!tpu.dma_semaphore, #tpu.memory_space<semaphore_mem>>)
    %dma_wait3A_296 = arith.constant 0 : i32
    %dma_wait3A_297 = arith.constant 0 : i32
    %dma_wait3A_298 = tpu.memref_slice %arg4[%dma_wait3A_296, %dma_wait3A_297] : memref<819200x64xf32, #tpu.memory_space<hbm>> -> memref<128x64xf32, #tpu.memory_space<hbm>>
    %dma_wait3A_299 = arith.constant 0 : i32
    %dma_wait3A_300 = arith.constant 0 : i32
    %dma_wait3A_301 = tpu.memref_slice %arg4[%dma_wait3A_299, %dma_wait3A_300] : memref<819200x64xf32, #tpu.memory_space<hbm>> -> memref<128x64xf32, #tpu.memory_space<hbm>>
    tpu.wait_dma2 semaphore(%arg29 : memref<!tpu.dma_semaphore, #tpu.memory_space<semaphore_mem>>) src(%arg13 : memref<128x64xf32, #tpu.memory_space<vmem>>) dst(%dma_wait3A_301 : memref<128x64xf32, #tpu.memory_space<hbm>>)
    %dma_start3A_302 = arith.constant 199 : i32
    %dma_start3A_303 = arith.constant 0 : i32
    %dma_start3A_304 = tpu.memref_slice %arg5[%dma_start3A_302, %dma_start3A_303] : memref<200x128xi32, #tpu.memory_space<vmem>> -> memref<1x128xi32, #tpu.memory_space<vmem>>
    %dma_start3A_305 = tpu.memref_squeeze %dma_start3A_304 : memref<1x128xi32, #tpu.memory_space<vmem>> -> memref<128xi32, #tpu.memory_space<vmem>>
    %dma_start3A_306 = arith.constant 0 : i32
    %dma_start3A_307 = arith.constant 0 : i32
    %dma_start3A_308 = tpu.memref_slice %arg2[%dma_start3A_306, %dma_start3A_307] : memref<100000x64xf32, #tpu.memory_space<hbm>> -> memref<100000x64xf32, #tpu.memory_space<hbm>>
    tpu.enqueue_indirect_dma source(%dma_start3A_308 : memref<100000x64xf32, #tpu.memory_space<hbm>>) target(%arg13 : memref<128x64xf32, #tpu.memory_space<vmem>>) offsets(%dma_start3A_305 : memref<128xi32, #tpu.memory_space<vmem>>) semaphore(%arg21 : memref<!tpu.dma_semaphore, #tpu.memory_space<semaphore_mem>>)
    %dma_wait3A_309 = arith.constant 0 : i32
    %dma_wait3A_310 = arith.constant 0 : i32
    %dma_wait3A_311 = tpu.memref_slice %arg5[%dma_wait3A_309, %dma_wait3A_310] : memref<200x128xi32, #tpu.memory_space<vmem>> -> memref<1x128xi32, #tpu.memory_space<vmem>>
    %dma_wait3A_312 = tpu.memref_squeeze %dma_wait3A_311 : memref<1x128xi32, #tpu.memory_space<vmem>> -> memref<128xi32, #tpu.memory_space<vmem>>
    %dma_wait3A_313 = arith.constant 0 : i32
    %dma_wait3A_314 = arith.constant 0 : i32
    %dma_wait3A_315 = tpu.memref_slice %arg2[%dma_wait3A_313, %dma_wait3A_314] : memref<100000x64xf32, #tpu.memory_space<hbm>> -> memref<100000x64xf32, #tpu.memory_space<hbm>>
    tpu.wait_indirect_dma semaphore(%arg17 : memref<!tpu.dma_semaphore, #tpu.memory_space<semaphore_mem>>) src(%dma_wait3A_315 : memref<100000x64xf32, #tpu.memory_space<hbm>>) dst(%arg9 : memref<128x64xf32, #tpu.memory_space<vmem>>)
    %add3A_316 = arith.constant 24960 : i32
    %add3A_317 = arith.addi %mul3A_2, %add3A_316 : i32
    %dma_start3A_318 = arith.constant 0 : i32
    %dma_start3A_319 = tpu.memref_slice %arg4[%add3A_317, %dma_start3A_318] : memref<819200x64xf32, #tpu.memory_space<hbm>> -> memref<128x64xf32, #tpu.memory_space<hbm>>
    %dma_start3A_320 = arith.constant 0 : i32
    %dma_start3A_321 = tpu.memref_slice %arg4[%add3A_317, %dma_start3A_320] : memref<819200x64xf32, #tpu.memory_space<hbm>> -> memref<128x64xf32, #tpu.memory_space<hbm>>
    tpu.enqueue_dma source(%arg9 : memref<128x64xf32, #tpu.memory_space<vmem>>) target(%dma_start3A_321 : memref<128x64xf32, #tpu.memory_space<hbm>>) target_semaphore(%arg25 : memref<!tpu.dma_semaphore, #tpu.memory_space<semaphore_mem>>)
    %dma_wait3A_322 = arith.constant 0 : i32
    %dma_wait3A_323 = arith.constant 0 : i32
    %dma_wait3A_324 = tpu.memref_slice %arg5[%dma_wait3A_322, %dma_wait3A_323] : memref<200x128xi32, #tpu.memory_space<vmem>> -> memref<1x128xi32, #tpu.memory_space<vmem>>
    %dma_wait3A_325 = tpu.memref_squeeze %dma_wait3A_324 : memref<1x128xi32, #tpu.memory_space<vmem>> -> memref<128xi32, #tpu.memory_space<vmem>>
    %dma_wait3A_326 = arith.constant 0 : i32
    %dma_wait3A_327 = arith.constant 0 : i32
    %dma_wait3A_328 = tpu.memref_slice %arg2[%dma_wait3A_326, %dma_wait3A_327] : memref<100000x64xf32, #tpu.memory_space<hbm>> -> memref<100000x64xf32, #tpu.memory_space<hbm>>
    tpu.wait_indirect_dma semaphore(%arg18 : memref<!tpu.dma_semaphore, #tpu.memory_space<semaphore_mem>>) src(%dma_wait3A_328 : memref<100000x64xf32, #tpu.memory_space<hbm>>) dst(%arg10 : memref<128x64xf32, #tpu.memory_space<vmem>>)
    %add3A_329 = arith.constant 25088 : i32
    %add3A_330 = arith.addi %mul3A_2, %add3A_329 : i32
    %dma_start3A_331 = arith.constant 0 : i32
    %dma_start3A_332 = tpu.memref_slice %arg4[%add3A_330, %dma_start3A_331] : memref<819200x64xf32, #tpu.memory_space<hbm>> -> memref<128x64xf32, #tpu.memory_space<hbm>>
    %dma_start3A_333 = arith.constant 0 : i32
    %dma_start3A_334 = tpu.memref_slice %arg4[%add3A_330, %dma_start3A_333] : memref<819200x64xf32, #tpu.memory_space<hbm>> -> memref<128x64xf32, #tpu.memory_space<hbm>>
    tpu.enqueue_dma source(%arg10 : memref<128x64xf32, #tpu.memory_space<vmem>>) target(%dma_start3A_334 : memref<128x64xf32, #tpu.memory_space<hbm>>) target_semaphore(%arg26 : memref<!tpu.dma_semaphore, #tpu.memory_space<semaphore_mem>>)
    %dma_wait3A_335 = arith.constant 0 : i32
    %dma_wait3A_336 = arith.constant 0 : i32
    %dma_wait3A_337 = tpu.memref_slice %arg5[%dma_wait3A_335, %dma_wait3A_336] : memref<200x128xi32, #tpu.memory_space<vmem>> -> memref<1x128xi32, #tpu.memory_space<vmem>>
    %dma_wait3A_338 = tpu.memref_squeeze %dma_wait3A_337 : memref<1x128xi32, #tpu.memory_space<vmem>> -> memref<128xi32, #tpu.memory_space<vmem>>
    %dma_wait3A_339 = arith.constant 0 : i32
    %dma_wait3A_340 = arith.constant 0 : i32
    %dma_wait3A_341 = tpu.memref_slice %arg2[%dma_wait3A_339, %dma_wait3A_340] : memref<100000x64xf32, #tpu.memory_space<hbm>> -> memref<100000x64xf32, #tpu.memory_space<hbm>>
    tpu.wait_indirect_dma semaphore(%arg19 : memref<!tpu.dma_semaphore, #tpu.memory_space<semaphore_mem>>) src(%dma_wait3A_341 : memref<100000x64xf32, #tpu.memory_space<hbm>>) dst(%arg11 : memref<128x64xf32, #tpu.memory_space<vmem>>)
    %add3A_342 = arith.constant 25216 : i32
    %add3A_343 = arith.addi %mul3A_2, %add3A_342 : i32
    %dma_start3A_344 = arith.constant 0 : i32
    %dma_start3A_345 = tpu.memref_slice %arg4[%add3A_343, %dma_start3A_344] : memref<819200x64xf32, #tpu.memory_space<hbm>> -> memref<128x64xf32, #tpu.memory_space<hbm>>
    %dma_start3A_346 = arith.constant 0 : i32
    %dma_start3A_347 = tpu.memref_slice %arg4[%add3A_343, %dma_start3A_346] : memref<819200x64xf32, #tpu.memory_space<hbm>> -> memref<128x64xf32, #tpu.memory_space<hbm>>
    tpu.enqueue_dma source(%arg11 : memref<128x64xf32, #tpu.memory_space<vmem>>) target(%dma_start3A_347 : memref<128x64xf32, #tpu.memory_space<hbm>>) target_semaphore(%arg27 : memref<!tpu.dma_semaphore, #tpu.memory_space<semaphore_mem>>)
    %dma_wait3A_348 = arith.constant 0 : i32
    %dma_wait3A_349 = arith.constant 0 : i32
    %dma_wait3A_350 = tpu.memref_slice %arg5[%dma_wait3A_348, %dma_wait3A_349] : memref<200x128xi32, #tpu.memory_space<vmem>> -> memref<1x128xi32, #tpu.memory_space<vmem>>
    %dma_wait3A_351 = tpu.memref_squeeze %dma_wait3A_350 : memref<1x128xi32, #tpu.memory_space<vmem>> -> memref<128xi32, #tpu.memory_space<vmem>>
    %dma_wait3A_352 = arith.constant 0 : i32
    %dma_wait3A_353 = arith.constant 0 : i32
    %dma_wait3A_354 = tpu.memref_slice %arg2[%dma_wait3A_352, %dma_wait3A_353] : memref<100000x64xf32, #tpu.memory_space<hbm>> -> memref<100000x64xf32, #tpu.memory_space<hbm>>
    tpu.wait_indirect_dma semaphore(%arg20 : memref<!tpu.dma_semaphore, #tpu.memory_space<semaphore_mem>>) src(%dma_wait3A_354 : memref<100000x64xf32, #tpu.memory_space<hbm>>) dst(%arg12 : memref<128x64xf32, #tpu.memory_space<vmem>>)
    %add3A_355 = arith.constant 25344 : i32
    %add3A_356 = arith.addi %mul3A_2, %add3A_355 : i32
    %dma_start3A_357 = arith.constant 0 : i32
    %dma_start3A_358 = tpu.memref_slice %arg4[%add3A_356, %dma_start3A_357] : memref<819200x64xf32, #tpu.memory_space<hbm>> -> memref<128x64xf32, #tpu.memory_space<hbm>>
    %dma_start3A_359 = arith.constant 0 : i32
    %dma_start3A_360 = tpu.memref_slice %arg4[%add3A_356, %dma_start3A_359] : memref<819200x64xf32, #tpu.memory_space<hbm>> -> memref<128x64xf32, #tpu.memory_space<hbm>>
    tpu.enqueue_dma source(%arg12 : memref<128x64xf32, #tpu.memory_space<vmem>>) target(%dma_start3A_360 : memref<128x64xf32, #tpu.memory_space<hbm>>) target_semaphore(%arg28 : memref<!tpu.dma_semaphore, #tpu.memory_space<semaphore_mem>>)
    %dma_wait3A_361 = arith.constant 0 : i32
    %dma_wait3A_362 = arith.constant 0 : i32
    %dma_wait3A_363 = tpu.memref_slice %arg5[%dma_wait3A_361, %dma_wait3A_362] : memref<200x128xi32, #tpu.memory_space<vmem>> -> memref<1x128xi32, #tpu.memory_space<vmem>>
    %dma_wait3A_364 = tpu.memref_squeeze %dma_wait3A_363 : memref<1x128xi32, #tpu.memory_space<vmem>> -> memref<128xi32, #tpu.memory_space<vmem>>
    %dma_wait3A_365 = arith.constant 0 : i32
    %dma_wait3A_366 = arith.constant 0 : i32
    %dma_wait3A_367 = tpu.memref_slice %arg2[%dma_wait3A_365, %dma_wait3A_366] : memref<100000x64xf32, #tpu.memory_space<hbm>> -> memref<100000x64xf32, #tpu.memory_space<hbm>>
    tpu.wait_indirect_dma semaphore(%arg21 : memref<!tpu.dma_semaphore, #tpu.memory_space<semaphore_mem>>) src(%dma_wait3A_367 : memref<100000x64xf32, #tpu.memory_space<hbm>>) dst(%arg13 : memref<128x64xf32, #tpu.memory_space<vmem>>)
    %add3A_368 = arith.constant 25472 : i32
    %add3A_369 = arith.addi %mul3A_2, %add3A_368 : i32
    %dma_start3A_370 = arith.constant 0 : i32
    %dma_start3A_371 = tpu.memref_slice %arg4[%add3A_369, %dma_start3A_370] : memref<819200x64xf32, #tpu.memory_space<hbm>> -> memref<128x64xf32, #tpu.memory_space<hbm>>
    %dma_start3A_372 = arith.constant 0 : i32
    %dma_start3A_373 = tpu.memref_slice %arg4[%add3A_369, %dma_start3A_372] : memref<819200x64xf32, #tpu.memory_space<hbm>> -> memref<128x64xf32, #tpu.memory_space<hbm>>
    tpu.enqueue_dma source(%arg13 : memref<128x64xf32, #tpu.memory_space<vmem>>) target(%dma_start3A_373 : memref<128x64xf32, #tpu.memory_space<hbm>>) target_semaphore(%arg29 : memref<!tpu.dma_semaphore, #tpu.memory_space<semaphore_mem>>)
    %dma_wait3A_374 = arith.constant 0 : i32
    %dma_wait3A_375 = arith.constant 0 : i32
    %dma_wait3A_376 = tpu.memref_slice %arg4[%dma_wait3A_374, %dma_wait3A_375] : memref<819200x64xf32, #tpu.memory_space<hbm>> -> memref<128x64xf32, #tpu.memory_space<hbm>>
    %dma_wait3A_377 = arith.constant 0 : i32
    %dma_wait3A_378 = arith.constant 0 : i32
    %dma_wait3A_379 = tpu.memref_slice %arg4[%dma_wait3A_377, %dma_wait3A_378] : memref<819200x64xf32, #tpu.memory_space<hbm>> -> memref<128x64xf32, #tpu.memory_space<hbm>>
    tpu.wait_dma2 semaphore(%arg22 : memref<!tpu.dma_semaphore, #tpu.memory_space<semaphore_mem>>) src(%arg6 : memref<128x64xf32, #tpu.memory_space<vmem>>) dst(%dma_wait3A_379 : memref<128x64xf32, #tpu.memory_space<hbm>>)
    %dma_wait3A_380 = arith.constant 0 : i32
    %dma_wait3A_381 = arith.constant 0 : i32
    %dma_wait3A_382 = tpu.memref_slice %arg4[%dma_wait3A_380, %dma_wait3A_381] : memref<819200x64xf32, #tpu.memory_space<hbm>> -> memref<128x64xf32, #tpu.memory_space<hbm>>
    %dma_wait3A_383 = arith.constant 0 : i32
    %dma_wait3A_384 = arith.constant 0 : i32
    %dma_wait3A_385 = tpu.memref_slice %arg4[%dma_wait3A_383, %dma_wait3A_384] : memref<819200x64xf32, #tpu.memory_space<hbm>> -> memref<128x64xf32, #tpu.memory_space<hbm>>
    tpu.wait_dma2 semaphore(%arg23 : memref<!tpu.dma_semaphore, #tpu.memory_space<semaphore_mem>>) src(%arg7 : memref<128x64xf32, #tpu.memory_space<vmem>>) dst(%dma_wait3A_385 : memref<128x64xf32, #tpu.memory_space<hbm>>)
    %dma_wait3A_386 = arith.constant 0 : i32
    %dma_wait3A_387 = arith.constant 0 : i32
    %dma_wait3A_388 = tpu.memref_slice %arg4[%dma_wait3A_386, %dma_wait3A_387] : memref<819200x64xf32, #tpu.memory_space<hbm>> -> memref<128x64xf32, #tpu.memory_space<hbm>>
    %dma_wait3A_389 = arith.constant 0 : i32
    %dma_wait3A_390 = arith.constant 0 : i32
    %dma_wait3A_391 = tpu.memref_slice %arg4[%dma_wait3A_389, %dma_wait3A_390] : memref<819200x64xf32, #tpu.memory_space<hbm>> -> memref<128x64xf32, #tpu.memory_space<hbm>>
    tpu.wait_dma2 semaphore(%arg24 : memref<!tpu.dma_semaphore, #tpu.memory_space<semaphore_mem>>) src(%arg8 : memref<128x64xf32, #tpu.memory_space<vmem>>) dst(%dma_wait3A_391 : memref<128x64xf32, #tpu.memory_space<hbm>>)
    %dma_wait3A_392 = arith.constant 0 : i32
    %dma_wait3A_393 = arith.constant 0 : i32
    %dma_wait3A_394 = tpu.memref_slice %arg4[%dma_wait3A_392, %dma_wait3A_393] : memref<819200x64xf32, #tpu.memory_space<hbm>> -> memref<128x64xf32, #tpu.memory_space<hbm>>
    %dma_wait3A_395 = arith.constant 0 : i32
    %dma_wait3A_396 = arith.constant 0 : i32
    %dma_wait3A_397 = tpu.memref_slice %arg4[%dma_wait3A_395, %dma_wait3A_396] : memref<819200x64xf32, #tpu.memory_space<hbm>> -> memref<128x64xf32, #tpu.memory_space<hbm>>
    tpu.wait_dma2 semaphore(%arg25 : memref<!tpu.dma_semaphore, #tpu.memory_space<semaphore_mem>>) src(%arg9 : memref<128x64xf32, #tpu.memory_space<vmem>>) dst(%dma_wait3A_397 : memref<128x64xf32, #tpu.memory_space<hbm>>)
    %dma_wait3A_398 = arith.constant 0 : i32
    %dma_wait3A_399 = arith.constant 0 : i32
    %dma_wait3A_400 = tpu.memref_slice %arg4[%dma_wait3A_398, %dma_wait3A_399] : memref<819200x64xf32, #tpu.memory_space<hbm>> -> memref<128x64xf32, #tpu.memory_space<hbm>>
    %dma_wait3A_401 = arith.constant 0 : i32
    %dma_wait3A_402 = arith.constant 0 : i32
    %dma_wait3A_403 = tpu.memref_slice %arg4[%dma_wait3A_401, %dma_wait3A_402] : memref<819200x64xf32, #tpu.memory_space<hbm>> -> memref<128x64xf32, #tpu.memory_space<hbm>>
    tpu.wait_dma2 semaphore(%arg26 : memref<!tpu.dma_semaphore, #tpu.memory_space<semaphore_mem>>) src(%arg10 : memref<128x64xf32, #tpu.memory_space<vmem>>) dst(%dma_wait3A_403 : memref<128x64xf32, #tpu.memory_space<hbm>>)
    %dma_wait3A_404 = arith.constant 0 : i32
    %dma_wait3A_405 = arith.constant 0 : i32
    %dma_wait3A_406 = tpu.memref_slice %arg4[%dma_wait3A_404, %dma_wait3A_405] : memref<819200x64xf32, #tpu.memory_space<hbm>> -> memref<128x64xf32, #tpu.memory_space<hbm>>
    %dma_wait3A_407 = arith.constant 0 : i32
    %dma_wait3A_408 = arith.constant 0 : i32
    %dma_wait3A_409 = tpu.memref_slice %arg4[%dma_wait3A_407, %dma_wait3A_408] : memref<819200x64xf32, #tpu.memory_space<hbm>> -> memref<128x64xf32, #tpu.memory_space<hbm>>
    tpu.wait_dma2 semaphore(%arg27 : memref<!tpu.dma_semaphore, #tpu.memory_space<semaphore_mem>>) src(%arg11 : memref<128x64xf32, #tpu.memory_space<vmem>>) dst(%dma_wait3A_409 : memref<128x64xf32, #tpu.memory_space<hbm>>)
    %dma_wait3A_410 = arith.constant 0 : i32
    %dma_wait3A_411 = arith.constant 0 : i32
    %dma_wait3A_412 = tpu.memref_slice %arg4[%dma_wait3A_410, %dma_wait3A_411] : memref<819200x64xf32, #tpu.memory_space<hbm>> -> memref<128x64xf32, #tpu.memory_space<hbm>>
    %dma_wait3A_413 = arith.constant 0 : i32
    %dma_wait3A_414 = arith.constant 0 : i32
    %dma_wait3A_415 = tpu.memref_slice %arg4[%dma_wait3A_413, %dma_wait3A_414] : memref<819200x64xf32, #tpu.memory_space<hbm>> -> memref<128x64xf32, #tpu.memory_space<hbm>>
    tpu.wait_dma2 semaphore(%arg28 : memref<!tpu.dma_semaphore, #tpu.memory_space<semaphore_mem>>) src(%arg12 : memref<128x64xf32, #tpu.memory_space<vmem>>) dst(%dma_wait3A_415 : memref<128x64xf32, #tpu.memory_space<hbm>>)
    %dma_wait3A_416 = arith.constant 0 : i32
    %dma_wait3A_417 = arith.constant 0 : i32
    %dma_wait3A_418 = tpu.memref_slice %arg4[%dma_wait3A_416, %dma_wait3A_417] : memref<819200x64xf32, #tpu.memory_space<hbm>> -> memref<128x64xf32, #tpu.memory_space<hbm>>
    %dma_wait3A_419 = arith.constant 0 : i32
    %dma_wait3A_420 = arith.constant 0 : i32
    %dma_wait3A_421 = tpu.memref_slice %arg4[%dma_wait3A_419, %dma_wait3A_420] : memref<819200x64xf32, #tpu.memory_space<hbm>> -> memref<128x64xf32, #tpu.memory_space<hbm>>
    tpu.wait_dma2 semaphore(%arg29 : memref<!tpu.dma_semaphore, #tpu.memory_space<semaphore_mem>>) src(%arg13 : memref<128x64xf32, #tpu.memory_space<vmem>>) dst(%dma_wait3A_421 : memref<128x64xf32, #tpu.memory_space<hbm>>)
    return
  }
}

module attributes {stable_mosaic.version = 14 : i64} {
  func.func @_fused_table_body(%arg0: i32, %arg1: memref<10000x64xf32, #tpu.memory_space<vmem>>, %arg2: memref<1x1x10000xi32, #tpu.memory_space<vmem>>, %arg3: memref<1x1x10000xi32, #tpu.memory_space<vmem>>, %arg4: memref<16x64xf32, #tpu.memory_space<vmem>>, %arg5: memref<16x64xf32, #tpu.memory_space<vmem>>, %arg6: memref<192x64xf32, #tpu.memory_space<vmem>>, %arg7: memref<1x64xf32, #tpu.memory_space<vmem>>, %arg8: memref<10000x64xf32, #tpu.memory_space<vmem>>) attributes {dimension_semantics = [#tpu.dimension_semantics<arbitrary>], iteration_bounds = array<i64: 10>, scalar_prefetch = 0 : i64, scratch_operands = 0 : i64, tpu.core_type = #tpu.core_type<tc>, window_params = [{transform_indices = @transform_0, window_bounds = array<i64: 10000, 64>}, {transform_indices = @transform_1, window_bounds = array<i64: 1, 1, 10000>}, {transform_indices = @transform_2, window_bounds = array<i64: 1, 1, 10000>}, {pipeline_mode = #tpu.pipeline_mode<synchronous>, transform_indices = @transform_3, window_bounds = array<i64: 16, 64>}, {pipeline_mode = #tpu.pipeline_mode<synchronous>, transform_indices = @transform_4, window_bounds = array<i64: 16, 64>}, {pipeline_mode = #tpu.pipeline_mode<synchronous>, transform_indices = @transform_5, window_bounds = array<i64: 192, 64>}, {pipeline_mode = #tpu.pipeline_mode<synchronous>, transform_indices = @transform_6, window_bounds = array<i64: 1, 64>}, {transform_indices = @transform_7, window_bounds = array<i64: 10000, 64>}]} {
    %get3A = arith.constant 0 : index
    %get3A_0 = arith.constant 0 : index
    %get3A_1 = vector.load %arg6[%get3A, %get3A_0] : memref<192x64xf32, #tpu.memory_space<vmem>>, vector<64x64xf32>
    %get3A_2 = arith.constant 64 : index
    %get3A_3 = arith.constant 0 : index
    %get3A_4 = vector.load %arg6[%get3A_2, %get3A_3] : memref<192x64xf32, #tpu.memory_space<vmem>>, vector<64x64xf32>
    %get3A_5 = arith.constant 128 : index
    %get3A_6 = arith.constant 0 : index
    %get3A_7 = vector.load %arg6[%get3A_5, %get3A_6] : memref<192x64xf32, #tpu.memory_space<vmem>>, vector<64x64xf32>
    %get3A_8 = arith.constant 0 : index
    %get3A_9 = arith.constant 0 : index
    %get3A_10 = vector.load %arg4[%get3A_8, %get3A_9] : memref<16x64xf32, #tpu.memory_space<vmem>>, vector<16x64xf32>
    %dot_general3A = arith.constant dense<0.000000e+00> : vector<16x64xf32>
    %dot_general3A_11 = tpu.matmul %get3A_10, %get3A_4, %dot_general3A {dimension_numbers = #tpu.dot_dimension_numbers<[1], [0], [0], [1], [0, 0, 1, 1], [], []>, transpose_lhs_hint = false} : vector<16x64xf32>, vector<64x64xf32>, vector<16x64xf32> -> vector<16x64xf32>
    %get3A_12 = arith.constant 0 : index
    %get3A_13 = arith.constant 0 : index
    %get3A_14 = vector.load %arg5[%get3A_12, %get3A_13] : memref<16x64xf32, #tpu.memory_space<vmem>>, vector<16x64xf32>
    %dot_general3A_15 = arith.constant dense<0.000000e+00> : vector<16x64xf32>
    %dot_general3A_16 = tpu.matmul %get3A_14, %get3A_7, %dot_general3A_15 {dimension_numbers = #tpu.dot_dimension_numbers<[1], [0], [0], [1], [0, 0, 1, 1], [], []>, transpose_lhs_hint = false} : vector<16x64xf32>, vector<64x64xf32>, vector<16x64xf32> -> vector<16x64xf32>
    %get3A_17 = arith.constant 0 : index
    %get3A_18 = arith.constant 0 : index
    %get3A_19 = arith.constant 0 : index
    %get3A_20 = vector.load %arg2[%get3A_17, %get3A_18, %get3A_19] : memref<1x1x10000xi32, #tpu.memory_space<vmem>>, vector<1x1x10000xi32>
    %get3A_21 = vector.shape_cast %get3A_20 : vector<1x1x10000xi32> to vector<10000xi32>
    %get3A_22 = arith.constant 0 : index
    %get3A_23 = arith.constant 0 : index
    %get3A_24 = arith.constant 0 : index
    %get3A_25 = vector.load %arg3[%get3A_22, %get3A_23, %get3A_24] : memref<1x1x10000xi32, #tpu.memory_space<vmem>>, vector<1x1x10000xi32>
    %get3A_26 = vector.shape_cast %get3A_25 : vector<1x1x10000xi32> to vector<10000xi32>
    %iota3A = tpu.iota {dimensions = array<i32: 1>} : vector<10000x16xi32>
    %broadcast_in_dim3A = vector.shape_cast %get3A_21 : vector<10000xi32> to vector<10000x1xi32>
    %eq3A = vector.broadcast %broadcast_in_dim3A : vector<10000x1xi32> to vector<10000x16xi32>
    %eq3A_27 = arith.cmpi eq, %eq3A, %iota3A : vector<10000x16xi32>
    %convert_element_type3A = arith.extui %eq3A_27 : vector<10000x16xi1> to vector<10000x16xi32>
    %convert_element_type3A_28 = arith.sitofp %convert_element_type3A : vector<10000x16xi32> to vector<10000x16xf32>
    %broadcast_in_dim3A_29 = vector.shape_cast %get3A_26 : vector<10000xi32> to vector<10000x1xi32>
    %eq3A_30 = vector.broadcast %broadcast_in_dim3A_29 : vector<10000x1xi32> to vector<10000x16xi32>
    %eq3A_31 = arith.cmpi eq, %eq3A_30, %iota3A : vector<10000x16xi32>
    %convert_element_type3A_32 = arith.extui %eq3A_31 : vector<10000x16xi1> to vector<10000x16xi32>
    %convert_element_type3A_33 = arith.sitofp %convert_element_type3A_32 : vector<10000x16xi32> to vector<10000x16xf32>
    %get3A_34 = arith.constant 0 : index
    %get3A_35 = arith.constant 0 : index
    %get3A_36 = vector.load %arg1[%get3A_34, %get3A_35] : memref<10000x64xf32, #tpu.memory_space<vmem>>, vector<10000x64xf32>
    %dot_general3A_37 = arith.constant dense<0.000000e+00> : vector<10000x64xf32>
    %dot_general3A_38 = tpu.matmul %get3A_36, %get3A_1, %dot_general3A_37 {dimension_numbers = #tpu.dot_dimension_numbers<[1], [0], [0], [1], [0, 0, 1, 1], [], []>, transpose_lhs_hint = false} : vector<10000x64xf32>, vector<64x64xf32>, vector<10000x64xf32> -> vector<10000x64xf32>
    %dot_general3A_39 = arith.constant dense<0.000000e+00> : vector<10000x64xf32>
    %dot_general3A_40 = tpu.matmul %convert_element_type3A_28, %dot_general3A_11, %dot_general3A_39 {dimension_numbers = #tpu.dot_dimension_numbers<[1], [0], [0], [1], [0, 0, 1, 1], [], []>, transpose_lhs_hint = false} : vector<10000x16xf32>, vector<16x64xf32>, vector<10000x64xf32> -> vector<10000x64xf32>
    %add3A = arith.addf %dot_general3A_38, %dot_general3A_40 : vector<10000x64xf32>
    %dot_general3A_41 = arith.constant dense<0.000000e+00> : vector<10000x64xf32>
    %dot_general3A_42 = tpu.matmul %convert_element_type3A_33, %dot_general3A_16, %dot_general3A_41 {dimension_numbers = #tpu.dot_dimension_numbers<[1], [0], [0], [1], [0, 0, 1, 1], [], []>, transpose_lhs_hint = false} : vector<10000x16xf32>, vector<16x64xf32>, vector<10000x64xf32> -> vector<10000x64xf32>
    %add3A_43 = arith.addf %add3A, %dot_general3A_42 : vector<10000x64xf32>
    %get3A_44 = arith.constant 0 : index
    %get3A_45 = arith.constant 0 : index
    %get3A_46 = vector.load %arg7[%get3A_44, %get3A_45] : memref<1x64xf32, #tpu.memory_space<vmem>>, vector<1x64xf32>
    %add3A_47 = vector.broadcast %get3A_46 : vector<1x64xf32> to vector<10000x64xf32>
    %add3A_48 = arith.addf %add3A_43, %add3A_47 : vector<10000x64xf32>
    %swap3A = arith.constant 0 : index
    %swap3A_49 = arith.constant 0 : index
    %swap3A_50 = vector.load %arg8[%swap3A, %swap3A_49] : memref<10000x64xf32, #tpu.memory_space<vmem>>, vector<10000x64xf32>
    tpu.vector_store %arg8[%swap3A, %swap3A_49], %add3A_48 {strides = array<i32>} : memref<10000x64xf32, #tpu.memory_space<vmem>>, vector<10000x64xf32>,
    return
  }
  func.func @transform_0(%arg0: i32) -> (i32, i32) {
    %c0_i32 = arith.constant 0 : i32
    %c0_i32_0 = arith.constant 0 : i32
    return %arg0, %c0_i32 : i32, i32
  }
  func.func @transform_1(%arg0: i32) -> (i32, i32, i32) {
    %c0_i32 = arith.constant 0 : i32
    %c0_i32_0 = arith.constant 0 : i32
    %c0_i32_1 = arith.constant 0 : i32
    return %arg0, %c0_i32, %c0_i32_0 : i32, i32, i32
  }
  func.func @transform_2(%arg0: i32) -> (i32, i32, i32) {
    %c0_i32 = arith.constant 0 : i32
    %c0_i32_0 = arith.constant 0 : i32
    %c0_i32_1 = arith.constant 0 : i32
    return %arg0, %c0_i32, %c0_i32_0 : i32, i32, i32
  }
  func.func @transform_3(%arg0: i32) -> (i32, i32) {
    %c0_i32 = arith.constant 0 : i32
    %c0_i32_0 = arith.constant 0 : i32
    %c0_i32_1 = arith.constant 0 : i32
    return %c0_i32, %c0_i32_0 : i32, i32
  }
  func.func @transform_4(%arg0: i32) -> (i32, i32) {
    %c0_i32 = arith.constant 0 : i32
    %c0_i32_0 = arith.constant 0 : i32
    %c0_i32_1 = arith.constant 0 : i32
    return %c0_i32, %c0_i32_0 : i32, i32
  }
  func.func @transform_5(%arg0: i32) -> (i32, i32) {
    %c0_i32 = arith.constant 0 : i32
    %c0_i32_0 = arith.constant 0 : i32
    %c0_i32_1 = arith.constant 0 : i32
    return %c0_i32, %c0_i32_0 : i32, i32
  }
  func.func @transform_6(%arg0: i32) -> (i32, i32) {
    %c0_i32 = arith.constant 0 : i32
    %c0_i32_0 = arith.constant 0 : i32
    %c0_i32_1 = arith.constant 0 : i32
    return %c0_i32, %c0_i32_0 : i32, i32
  }
  func.func @transform_7(%arg0: i32) -> (i32, i32) {
    %c0_i32 = arith.constant 0 : i32
    %c0_i32_0 = arith.constant 0 : i32
    return %arg0, %c0_i32 : i32, i32
  }
}

</mosaic_0001>

<sc_bundles>
// kernel: kernel.4.cloned.1.call-start
scs
__scs_entry_jumppad:
0x0: {  	(pc) =	sbr.rel $0x88, $3  }
0x1: {  	(tag) =	ssettag $0x0;
	lr =	simm.s32 $0x1  }
0x2: {  	[smem:$0x3F99] =	sst lr;
	_ =	strace $0xD0000000  }
0x3: {  	_ = 	snop  }
0x4: {  	_ = 	snop  }
0x5: {  	_ = 	snop  }
0x6: {  	_ = 	snop  }
0x7: {  	_ = 	snop  }
__scs_overlays_trampoline_lowered:
0x8: {  	[smem:$0x3FA8] =	sst s0  }
0x9: {  	[smem:$0x3FA9] =	sst s1  }
0xa: {  	[smem:$0x3FAA] =	sst s2  }
0xb: {  	[smem:$0x3FAB] =	sst s3  }
0xc: {  	[smem:$0x3FAC] =	sst s4  }
0xd: {  	[smem:$0x3FAD] =	sst s5  }
0xe: {  	[smem:$0x3FAE] =	sst s6  }
0xf: {  	[smem:$0x3FAF] =	sst s7  }
0x10: {  	[smem:$0x3FB0] =	sst s8  }
0x11: {  	[smem:$0x3FB1] =	sst s9;
	s0 =	simm.s32 @!p0 $0x0  }
0x12: {  	s1 =	sld [smem:$0x3F97];
	s0 =	simm.s32 @p0 $0x1  }
0x13: {  	[smem:$0x3FB2] =	sst s0;
	s0 =	simm.s32 @!p1 $0x0  }
0x14: {  	s2 =	sld [smem:$0x3F96];
	s0 =	simm.s32 @p1 $0x1  }
0x15: {  	[smem:$0x3FB3] =	sst s0;
	s0 =	simm.s32 @!p2 $0x0  }
0x16: {  	s3 =	sld [smem:$0x3FDB];
	s0 =	simm.s32 @p2 $0x1  }
0x17: {  	s4 =	simm.s32 $0x1BF5;
	[smem:$0x3FB5] =	sst s0  }
0x18: {  	s0 =	sld [smem:$0x3F98];
	_ =	swait.ge [sflag:s4], $0x0  }
0x19: {  	s7 =	sld [smem:$0x3F99]  }
0x1a: {  	s8 =	sadd.s32 $0xFFFFE003, lr  }
0x1b: {  	s9 =	sadd.s32 $0xFFFFFEF7, lr;
	s5 =	simm.s32 $0xFFFFFFFF;
	p2 =	slt.u32 s8, $0xFFFFF086  }
0x1c: {  	p1 =	slt.u32 s9, $0xF7A;
	s5 =	simm.s32 @!p2 $0x0  }
0x1d: {  	s5 =	simm.s32 @p1 $0x1;
	p0 =	seq.s32 s7, s2  }
0x1e: {  	s7 =	smul.u32 @!p0 $0xF7A, s2;
	p2 =	seq.s32 @!p0 s5, $0x0  }
0x1f: {  	s9 =	smul.u32 $0xF7A, s1;
	s8 =	simm.s32 @!p0 $0x1BF5;
	p2 =	por !p2, p0  }
0x20: {  	[sflag:s8] =	ssyncset.s32 @!p0 $0xFFFFF086;
	s6 =	sadd.s32 @!p0 s3, s7;
	s7 =	simm.s32 @!p0 $0x108  }
0x21: {  	s3 =	sadd.s32 s3, s9;
	s6 =	sadd.s32 @!p0 $0x88, s6;
	s7 =	simm.s32 @p2 $0x1082  }
0x22: {  	[simem:s7], [sflag:s8] =	dma.local @!p0 [hbm:s6], $0xF7A  }
0x23: {  	s9 =	sor.u32 $0xD0000000, s2;
	s6 =	simm.s32 $0x108;
	_ =	swait.ge @!p0 [sflag:s8], $0x0  }
0x24: {  	s3 =	sadd.s32 $0x88, s3;
	s6 =	simm.s32 @!p1 $0x1082;
	[sflag:s4] =	ssyncset.s32 $0xFFFFF086  }
0x25: {  	[simem:s6], [sflag:s4] =	dma.local [hbm:s3], $0xF7A  }
0x26: {  	[smem:$0x3F99] =	sst s1;
	(tag) =	ssettag s2;
	_ =	strace s9  }
0x27: {  	s1 =	sld [smem:$0x3FA9]  }
0x28: {  	s2 =	sld [smem:$0x3FAA]  }
0x29: {  	s4 =	sld [smem:$0x3FAC]  }
0x2a: {  	p0 =	seq.s32 s5, $0x0;
	s5 =	sld [smem:$0x3FAD]  }
0x2b: {  	s6 =	sld [smem:$0x3FAE]  }
0x2c: {  	s7 =	sld [smem:$0x3FAF]  }
0x2d: {  	s3 =	simm.s32 $0x108;
	s8 =	sld [smem:$0x3FB0]  }
0x2e: {  	s3 =	simm.s32 @!p0 $0x1082;
	s9 =	sld [smem:$0x3FB1]  }
0x2f: {  	lr =	sadd.s32 s0, s3;
	s0 =	sld [smem:$0x3FA8]  }
0x30: {  	s3 =	sld [smem:$0x3FAB]  }
0x31: {  	[smem:$0x3FB4] =	sst s10  }
0x32: {  	s10 =	sld [smem:$0x3FB2];
	_ =	sdelay $0x3  }
0x33: {  	p0 =	seq.s32 s10, $0x1;
	s10 =	sld [smem:$0x3FB4];
	_ =	sdelay $0x3  }
0x34: {  	[smem:$0x3FB4] =	sst s10  }
0x35: {  	s10 =	sld [smem:$0x3FB3];
	_ =	sdelay $0x3  }
0x36: {  	p1 =	seq.s32 s10, $0x1;
	s10 =	sld [smem:$0x3FB4];
	_ =	sdelay $0x3  }
0x37: {  	[smem:$0x3FB4] =	sst s10  }
0x38: {  	s10 =	sld [smem:$0x3FB5]  }
0x39: {  	_ = 	snop;
	(pc) =	sbr.ind lr, $3  }
0x3a: {  	_ = 	snop  }
0x3b: {  	_ = 	snop  }
0x3c: {  	p2 =	seq.s32 s10, $0x1;
	s10 =	sld [smem:$0x3FB4]  }
0x3d: {  	_ =	shalt  }
0x3e: {  	_ =	shalt  }
0x3f: {  	_ =	shalt  }
0x40: {  	_ =	shalt  }
0x41: {  	_ =	shalt  }
0x42: {  	_ =	shalt  }
0x43: {  	_ =	shalt  }
0x44: {  	_ =	shalt  }
0x45: {  	_ =	shalt  }
0x46: {  	_ =	shalt  }
0x47: {  	_ =	shalt  }
0x48: {  	_ =	shalt  }
0x49: {  	_ =	shalt  }
0x4a: {  	_ =	shalt  }
0x4b: {  	_ =	shalt  }
0x4c: {  	_ =	shalt  }
0x4d: {  	_ =	shalt  }
0x4e: {  	_ =	shalt  }
0x4f: {  	_ =	shalt  }
0x50: {  	_ =	shalt  }
0x51: {  	_ =	shalt  }
0x52: {  	_ =	shalt  }
0x53: {  	_ =	shalt  }
0x54: {  	_ =	shalt  }
0x55: {  	_ =	shalt  }
0x56: {  	_ =	shalt  }
0x57: {  	_ =	shalt  }
0x58: {  	_ =	shalt  }
0x59: {  	_ =	shalt  }
0x5a: {  	_ =	shalt  }
0x5b: {  	_ =	shalt  }
0x5c: {  	_ =	shalt  }
0x5d: {  	_ =	shalt  }
0x5e: {  	_ =	shalt  }
0x5f: {  	_ =	shalt  }
0x60: {  	_ =	shalt  }
0x61: {  	_ =	shalt  }
0x62: {  	_ =	shalt  }
0x63: {  	_ =	shalt  }
0x64: {  	_ =	shalt  }
0x65: {  	_ =	shalt  }
0x66: {  	_ =	shalt  }
0x67: {  	_ =	shalt  }
0x68: {  	_ =	shalt  }
0x69: {  	_ =	shalt  }
0x6a: {  	_ =	shalt  }
0x6b: {  	_ =	shalt  }
0x6c: {  	_ =	shalt  }
0x6d: {  	_ =	shalt  }
0x6e: {  	_ =	shalt  }
0x6f: {  	_ =	shalt  }
0x70: {  	_ =	shalt  }
0x71: {  	_ =	shalt  }
0x72: {  	_ =	shalt  }
0x73: {  	_ =	shalt  }
0x74: {  	_ =	shalt  }
0x75: {  	_ =	shalt  }
0x76: {  	_ =	shalt  }
0x77: {  	_ =	shalt  }
0x78: {  	_ =	shalt  }
0x79: {  	_ =	shalt  }
0x7a: {  	_ =	shalt  }
0x7b: {  	_ =	shalt  }
0x7c: {  	_ =	shalt  }
0x7d: {  	_ =	shalt  }
0x7e: {  	_ =	shalt  }
0x7f: {  	_ =	shalt  }
0x80: {  	_ =	shalt  }
0x81: {  	_ =	shalt  }
0x82: {  	_ =	shalt  }
0x83: {  	_ =	shalt  }
0x84: {  	_ =	shalt  }
0x85: {  	_ =	shalt  }
0x86: {  	_ =	shalt  }
0x87: {  	_ =	shalt  }
.Lfunc_end0:
.L_simem_size_0:
called_computation.1_lowered:
.L_overlay_start_0:
0x88: {  	s2 =	sld [smem:$0x3FD9]  }
0x89: {  	s3 =	sld [smem:$0x3FFE];
	_ =	sdelay $0x1  }
0x8a: {  	s1 =	srdreg.scid  }
0x8b: {  	s0 =	sand.u32 $0x1, s1  }
0x8c: {  	s17 =	sshll.u32 s0, $0xA;
	s2 =	sadd.s32 s3, s2  }
0x8d: {  	s2 =	sadd.s32 s2, s17  }
0x8e: {  	[smem:$0x3FC0] =	sst s2  }
0x8f: {  	_ = 	snop  }
0x90: {  	s2 =	sld [smem:$0x3FD0];
	(tm) =	ssettm $0x1  }
0x91: {  	s18 =	sld [smem:$0x3FFB];
	_ =	sdelay $0x3  }
0x92: {  	_ =	strace s18  }
0x93: {  	s3 =	sld [smem:$0x3FFC];
	_ =	sdelay $0x3  }
0x94: {  	_ =	strace s3  }
0x95: {  	s3 =	sld [smem:$0x3FFD];
	_ =	sdelay $0x3  }
0x96: {  	_ =	strace s3  }
0x97: {  	_ =	strace $0x8FFFFFFF  }
0x98: {  	s19 =	sld [smem:$0x3FDB];
	_ =	sdelay $0x1  }
0x99: {  	s4 =	simm.s32 $_scs_section_size  }
0x9a: {  	s5 =	simm.s32 $_size__tile_overlayer_lowered;
	s6 =	simm.s32 $_tile_overlayer_lowered  }
0x9b: {  	s22 =	simm.s32 $0x1BFF;
	s21 =	sshll.u32 s6, $0x1;
	s3 =	sadd.s32 s4, s19  }
0x9c: {  	s7 =	simm.s32 $0x0;
	s20 =	sshll.u32 s5, $0x1;
	s5 =	sadd.s32 s21, s3  }
0x9d: {  	[timem:s7], [sflag:s22] =	dma.local [hbm:s5], s20  }
0x9e: {  	_ =	swait.ge [sflag:s22], s20  }
0x9f: {  	s4 =	ssub.s32 $0x0, s20;
	[sflag:s22] =	ssyncset.done $0x0  }
0xa0: {  	[sflag:s22] =	ssyncadd.s32 s4;
	_ =	sdelay $0x1  }
0xa1: {  	s23 =	simm.s32 $0x1B8B  }
0xa2: {  	_ =	swait.ge [sflag:s23], $0x1  }
0xa3: {  	[sflag:s23] =	ssyncset.done $0x0  }
0xa4: {  	s25 =	simm.s32 $0x1B8E;
	s24 =	sld [smem:$0x3FFE];
	[sflag:s23] =	ssyncadd.s32 $0xFFFFFFFF  }
0xa5: {  	s26 =	simm.s32 $execute0_lowered;
	[smem:$0x3FD2] =	sst s25  }
0xa6: {  	s5 =	sshll.u32 s26, $0x1;
	_ =	strace $0x80000046;
	[dreg:$0x1] =	wrdreg $0xFFFFFFFF  }
0xa7: {  	s28 =	simm.s32 $_size_execute0_lowered;
	s3 =	sadd.s32 s3, s5;
	[dreg:$0x0] =	wrdreg $0x0  }
0xa8: {  	s5 =	sshll.u32 s28, $0x1;
	[dreg:$0x2] =	wrdreg s3  }
0xa9: {  	[dreg:$0x3] =	wrdreg s5  }
0xaa: {  	[dreg:$0x4] =	wrdreg $0xC0  }
0xab: {  	_ =	task [dreg:s7], $0x5FFFF  }
0xac: {  	[dreg:$0x1] =	wrdreg $0xFFFFFFFF  }
0xad: {  	[dreg:$0x0] =	wrdreg $0x60  }
0xae: {  	[dreg:$0x2] =	wrdreg s24  }
0xaf: {  	[dreg:$0x3] =	wrdreg s2  }
0xb0: {  	[dreg:$0x4] =	wrdreg $0x9  }
0xb1: {  	_ =	task.clear_ibuf [dreg:s7], $0x5FFFF;
	_ =	strace $0x90000046  }
0xb2: {  	s29 =	simm.s32 $0x9;
	_ =	strace $0x80000048  }
0xb3: {  	_ =	swait.ge [sflag:s29], $0x1  }
0xb4: {  	[sflag:s29] =	ssyncadd.s32 $0xFFFFFFFF  }
0xb5: {  	_ =	strace $0x90000048  }
0xb6: {  	_ =	sfence  }
0xb7: {  	s30 =	sld [smem:$0x0];
	_ =	sdelay $0x2  }
0xb8: {  	s31 =	sshll.u32 s1, $0xD;
	s1 =	sshrl.u32 s1, $0x2  }
0xb9: {  	s3 =	sand.u32 $0x4000, s31;
	s1 =	sadd.s32 s1, s30  }
0xba: {  	s0 =	sor.u32 s3, s0;
	s1 =	sshll.u32 s1, $0x11  }
0xbb: {  	s0 =	sor.u32 s1, s0  }
0xbc: {  	s0 =	sadd.s32 $0x8F2B, s0  }
0xbd: {  	[sflag:s0] =	ssyncadd.remote.s32 $0x1  }
0xbe: {  	_ =	sfence.sel $0xFFFF  }
0xbf: {  	[dreg:$0x0] =	wrdreg $0xFFFFFFFF;
	(pc) =	sbr.abs _section_cstart, $3  }
0xc0: {  	[dreg:$0x1] =	wrdreg $0xFFFFFFFF  }
0xc1: {  	_ =	task.clear_ibuf [dreg:s7], $0x2FFFF;
	_ =	strace $0x9FFFFFFF  }
0xc2: {  	(tm) =	ssettm $0x7FFFFFFF  }
0xc3: {  	_ =	shalt  }
tec
execute0_lowered:
.L_overlay_start_1:
0x0: {  	(tag) =	ssettag $0x1  }
0x1: {  	s0 =	rddreg [dreg:$0x0]  }
0x2: {  	s1 =	srdreg.scid;
	s9 =	stileid.u32  }
0x3: {  	s26 =	rddreg [dreg:$0x1];
	s1 =	sand.u32 $0x1, s1;
	s19 =	smul.u32 $0x320000, s9  }
0x4: {  	s3 =	simm.s32 $0x0;
	s2 =	sshll.u32 s9, $0x1;
	s14 =	smul.u32 $0x6400, s1  }
0x5: {  	s2 =	sor.u32 s1, s2;
	s5 =	ssub.s32 $0x2, s1;
	s1 =	smul.u32 $0x190000, s1  }
0x6: {  	[smem:$0x7FF] =	sst s3;
	s8 =	smul.u32 $0x32000, s2  }
0x7: {  	_ =	strace $0x80000047;
	s4 =	smul.u32 $0x6400, s2;
	s7 =	sshrl.u32 s5, $0x1  }
0x8: {  	s5 =	ssub.s32 s5, s7;
	s1 =	sadd.s32 s1, s19;
	s30 =	sadd.s32 s26, s8  }
0x9: {  	s6 =	sshrl.u32 s4, $0x3;
	s5 =	smax.u32 s5, $0x1;
	[dreg:$0xb] =	wrdreg s30  }
0xa: {  	s4 =	sadd.s32 $0x1A0400, s0;
	s1 =	sadd.s32 $0x10000, s1;
	[dreg:$0x1b] =	wrdreg s5  }
0xb: {  	s0 =	sadd.s32 s6, s0;
	s6 =	sadd.s32 $0x400, s30;
	[dreg:$0x1c] =	wrdreg s1  }
0xc: {  	s8 =	sadd.s32 $0x800, s30;
	[dreg:$0xc] =	wrdreg s6  }
0xd: {  	s12 =	smul.u32 $0xC800, s9;
	s10 =	sadd.s32 $0xC00, s30;
	[dreg:$0xd] =	wrdreg s8  }
0xe: {  	s31 =	smul.u32 $0x190000, s2;
	s11 =	sadd.s32 $0x1000, s30;
	[dreg:$0xe] =	wrdreg s10  }
0xf: {  	s2 =	sadd.s32 s14, s12;
	s13 =	sadd.s32 $0x1400, s30;
	[dreg:$0xf] =	wrdreg s11  }
0x10: {  	s2 =	sshll.u32 s2, $0x3;
	s7 =	sadd.s32 $0x1C00, s30;
	[dreg:$0x10] =	wrdreg s13  }
0x11: {  	s21 =	sadd.s32 $0x2C00, s2;
	[dreg:$0x12] =	wrdreg s7  }
0x12: {  	s23 =	sadd.s32 $0x2800, s2;
	[dreg:$0x3] =	wrdreg s21  }
0x13: {  	s24 =	sadd.s32 $0x2400, s2;
	[dreg:$0x4] =	wrdreg s23  }
0x14: {  	s28 =	sadd.s32 $0x3C00, s2;
	[dreg:$0x5] =	wrdreg s24  }
0x15: {  	s29 =	sadd.s32 $0x3800, s2;
	[dreg:$0x6] =	wrdreg s28  }
0x16: {  	s0 =	sadd.s32 $0xA00, s0;
	[dreg:$0x7] =	wrdreg s29  }
0x17: {  	s8 =	sadd.s32 $0x1800, s30;
	[dreg:$0xa] =	wrdreg s0  }
0x18: {  	s30 =	sadd.s32 $0x3400, s2;
	s0 =	sshrl.u32 s31, $0x3;
	[dreg:$0x11] =	wrdreg s8  }
0x19: {  	[dreg:$0x8] =	wrdreg s30;
	s31 =	sadd.s32 $0x3000, s2;
	s0 =	sadd.s32 s26, s0  }
0x1a: {  	s12 =	simm.s32 $0x5;
	[dreg:$0x9] =	wrdreg s31;
	s15 =	sadd.s32 $0x30000, s0  }
0x1b: {  	s14 =	simm.s32 $0x6;
	s16 =	sadd.s32 $0x30400, s0;
	[dreg:$0x13] =	wrdreg s15  }
0x1c: {  	s19 =	simm.s32 $0xD;
	s17 =	sadd.s32 $0x30800, s0;
	[dreg:$0x14] =	wrdreg s16  }
0x1d: {  	s10 =	simm.s32 $0x4;
	s18 =	sadd.s32 $0x30C00, s0;
	[dreg:$0x15] =	wrdreg s17  }
0x1e: {  	s11 =	simm.s32 $0x9;
	s20 =	sadd.s32 $0x31000, s0;
	[dreg:$0x16] =	wrdreg s18  }
0x1f: {  	s13 =	simm.s32 $0xA;
	s22 =	sadd.s32 $0x31400, s0;
	[dreg:$0x17] =	wrdreg s20  }
0x20: {  	s21 =	simm.s32 $0xF;
	s25 =	sadd.s32 $0x31800, s0;
	[dreg:$0x18] =	wrdreg s22  }
0x21: {  	s8 =	simm.s32 $0x3;
	s0 =	sadd.s32 $0x31C00, s0;
	[dreg:$0x19] =	wrdreg s25  }
0x22: {  	[dreg:$0x1a] =	wrdreg s0;
	s25 =	simm.s32 $0x80;
	s15 =	simm.s32 $0xB  }
0x23: {  	s16 =	simm.s32 $0x7;
	s17 =	simm.s32 $0xC;
	s18 =	simm.s32 $0x8  }
0x24: {  	s20 =	simm.s32 $0xE;
	s22 =	simm.s32 $0x10;
	s0 =	simm.s32 $0x0  }
.LBB2_1:
0x25: {  	[dreg:$0x1d] =	wrdreg s0  }
0x26: {  	s2 =	rddreg [dreg:$0xa];
	s29 =	simm.s32 $0x11  }
0x27: {  	[tilespmem:s3], [sflag:$0x11] =	stream.linear.gather [hbm4b:s2+s3], $0x6400, $0x38;
	[tilespmem:$0x16400] =	vst v63  }
0x28: {  	_ =	swait.ge [sflag:s29], $0x6400  }
0x29: {  	[sflag:s29] =	ssyncset.done $0x0  }
0x2a: {  	s23 =	simm.s32 $0x6400;
	[sflag:s29] =	ssyncadd.s32 $0xFFFF9C00  }
0x2b: {  	[tilespmem:s23], [sflag:$0x1] =	stream.indirect.gather [hbm4b:s4+s25], $0x40, s3, s25, $0xb8;
	[tilespmem:$0x16400] =	vst v63  }
0x2c: {  	s1 =	simm.s32 $0x8400  }
0x2d: {  	[tilespmem:s1], [sflag:$0x2] =	stream.indirect.gather [hbm4b:s4+s25], $0x40, s25, s25, $0xb8;
	[tilespmem:$0x16400] =	vst v63  }
0x2e: {  	s30 =	simm.s32 $0x100;
	s24 =	simm.s32 $0xA400  }
0x2f: {  	[tilespmem:s24], [sflag:$0x3] =	stream.indirect.gather [hbm4b:s4+s25], $0x40, s30, s25, $0xb8;
	[tilespmem:$0x16400] =	vst v63  }
0x30: {  	s31 =	simm.s32 $0x180;
	s28 =	simm.s32 $0xC400  }
0x31: {  	[tilespmem:s28], [sflag:$0x4] =	stream.indirect.gather [hbm4b:s4+s25], $0x40, s31, s25, $0xb8;
	[tilespmem:$0x16400] =	vst v63  }
0x32: {  	s7 =	simm.s32 $0xE400;
	s2 =	simm.s32 $0x200;
	s29 =	simm.s32 $0x1  }
0x33: {  	[tilespmem:s7], [sflag:$0x5] =	stream.indirect.gather [hbm4b:s4+s25], $0x40, s2, s25, $0xb8;
	[tilespmem:$0x16400] =	vst v63  }
0x34: {  	_ =	swait.ge [sflag:s29], $0x2000  }
0x35: {  	[sflag:s29] =	ssyncset.done $0x0  }
0x36: {  	s5 =	rddreg [dreg:$0xb];
	[sflag:s29] =	ssyncadd.s32 $0xFFFFE000  }
0x37: {  	[hbm4b:s5+s3] =	stream.linear.scatter [tilespmem:s23], [sflag:$0x9], $0x2000, $0x38;
	[tilespmem:$0x16400] =	vst v63  }
0x38: {  	s6 =	simm.s32 $0x280;
	s9 =	simm.s32 $0x10400;
	s5 =	simm.s32 $0x2  }
0x39: {  	[tilespmem:s9], [sflag:$0x6] =	stream.indirect.gather [hbm4b:s4+s25], $0x40, s6, s25, $0xb8;
	[tilespmem:$0x16400] =	vst v63  }
0x3a: {  	_ =	swait.ge [sflag:s5], $0x2000  }
0x3b: {  	[sflag:s5] =	ssyncset.done $0x0  }
0x3c: {  	s30 =	rddreg [dreg:$0xc];
	[sflag:s5] =	ssyncadd.s32 $0xFFFFE000  }
0x3d: {  	[hbm4b:s30+s3] =	stream.linear.scatter [tilespmem:s1], [sflag:$0xA], $0x2000, $0x38;
	[tilespmem:$0x16400] =	vst v63  }
0x3e: {  	s31 =	simm.s32 $0x300;
	s30 =	simm.s32 $0x12400  }
0x3f: {  	[tilespmem:s30], [sflag:$0x7] =	stream.indirect.gather [hbm4b:s4+s25], $0x40, s31, s25, $0xb8;
	[tilespmem:$0x16400] =	vst v63  }
0x40: {  	_ =	swait.ge [sflag:s8], $0x2000  }
0x41: {  	[sflag:s8] =	ssyncset.done $0x0  }
0x42: {  	s0 =	rddreg [dreg:$0xd];
	[sflag:s8] =	ssyncadd.s32 $0xFFFFE000  }
0x43: {  	[hbm4b:s0+s3] =	stream.linear.scatter [tilespmem:s24], [sflag:$0xB], $0x2000, $0x38;
	[tilespmem:$0x16400] =	vst v63  }
0x44: {  	s6 =	simm.s32 $0x380;
	s31 =	simm.s32 $0x14400  }
0x45: {  	[tilespmem:s31], [sflag:$0x8] =	stream.indirect.gather [hbm4b:s4+s25], $0x40, s6, s25, $0xb8;
	[tilespmem:$0x16400] =	vst v63  }
0x46: {  	_ =	swait.ge [sflag:s10], $0x2000  }
0x47: {  	[sflag:s10] =	ssyncset.done $0x0  }
0x48: {  	s0 =	rddreg [dreg:$0xe];
	[sflag:s10] =	ssyncadd.s32 $0xFFFFE000  }
0x49: {  	[hbm4b:s0+s3] =	stream.linear.scatter [tilespmem:s28], [sflag:$0xC], $0x2000, $0x38;
	[tilespmem:$0x16400] =	vst v63  }
0x4a: {  	_ =	swait.ge [sflag:s11], $0x2000  }
0x4b: {  	[sflag:s11] =	ssyncset.done $0x0  }
0x4c: {  	s6 =	simm.s32 $0x400;
	[sflag:s11] =	ssyncadd.s32 $0xFFFFE000  }
0x4d: {  	[tilespmem:s23], [sflag:$0x1] =	stream.indirect.gather [hbm4b:s4+s25], $0x40, s6, s25, $0xb8;
	[tilespmem:$0x16400] =	vst v63  }
0x4e: {  	_ =	swait.ge [sflag:s12], $0x2000  }
0x4f: {  	[sflag:s12] =	ssyncset.done $0x0  }
0x50: {  	s0 =	rddreg [dreg:$0xf];
	[sflag:s12] =	ssyncadd.s32 $0xFFFFE000  }
0x51: {  	[hbm4b:s0+s3] =	stream.linear.scatter [tilespmem:s7], [sflag:$0xD], $0x2000, $0x38;
	[tilespmem:$0x16400] =	vst v63  }
0x52: {  	_ =	swait.ge [sflag:s13], $0x2000  }
0x53: {  	[sflag:s13] =	ssyncset.done $0x0  }
0x54: {  	s6 =	simm.s32 $0x480;
	[sflag:s13] =	ssyncadd.s32 $0xFFFFE000  }
0x55: {  	[tilespmem:s1], [sflag:$0x2] =	stream.indirect.gather [hbm4b:s4+s25], $0x40, s6, s25, $0xb8;
	[tilespmem:$0x16400] =	vst v63  }
0x56: {  	_ =	swait.ge [sflag:s14], $0x2000  }
0x57: {  	[sflag:s14] =	ssyncset.done $0x0  }
0x58: {  	s0 =	rddreg [dreg:$0x10];
	[sflag:s14] =	ssyncadd.s32 $0xFFFFE000  }
0x59: {  	[hbm4b:s0+s3] =	stream.linear.scatter [tilespmem:s9], [sflag:$0xE], $0x2000, $0x38;
	[tilespmem:$0x16400] =	vst v63  }
0x5a: {  	_ =	swait.ge [sflag:s15], $0x2000  }
0x5b: {  	[sflag:s15] =	ssyncset.done $0x0  }
0x5c: {  	s6 =	simm.s32 $0x500;
	[sflag:s15] =	ssyncadd.s32 $0xFFFFE000  }
0x5d: {  	[tilespmem:s24], [sflag:$0x3] =	stream.indirect.gather [hbm4b:s4+s25], $0x40, s6, s25, $0xb8;
	[tilespmem:$0x16400] =	vst v63  }
0x5e: {  	_ =	swait.ge [sflag:s16], $0x2000  }
0x5f: {  	[sflag:s16] =	ssyncset.done $0x0  }
0x60: {  	s0 =	rddreg [dreg:$0x11];
	[sflag:s16] =	ssyncadd.s32 $0xFFFFE000  }
0x61: {  	[hbm4b:s0+s3] =	stream.linear.scatter [tilespmem:s30], [sflag:$0xF], $0x2000, $0x38;
	[tilespmem:$0x16400] =	vst v63  }
0x62: {  	_ =	swait.ge [sflag:s17], $0x2000  }
0x63: {  	[sflag:s17] =	ssyncset.done $0x0  }
0x64: {  	s6 =	simm.s32 $0x580;
	[sflag:s17] =	ssyncadd.s32 $0xFFFFE000  }
0x65: {  	[tilespmem:s28], [sflag:$0x4] =	stream.indirect.gather [hbm4b:s4+s25], $0x40, s6, s25, $0xb8;
	[tilespmem:$0x16400] =	vst v63  }
0x66: {  	_ =	swait.ge [sflag:s18], $0x2000  }
0x67: {  	[sflag:s18] =	ssyncset.done $0x0  }
0x68: {  	s0 =	rddreg [dreg:$0x12];
	[sflag:s18] =	ssyncadd.s32 $0xFFFFE000  }
0x69: {  	[hbm4b:s0+s3] =	stream.linear.scatter [tilespmem:s31], [sflag:$0x10], $0x2000, $0x38;
	[tilespmem:$0x16400] =	vst v63  }
0x6a: {  	_ =	swait.ge [sflag:s19], $0x2000  }
0x6b: {  	[sflag:s19] =	ssyncset.done $0x0  }
0x6c: {  	s6 =	simm.s32 $0x600;
	[sflag:s19] =	ssyncadd.s32 $0xFFFFE000  }
0x6d: {  	[tilespmem:s7], [sflag:$0x5] =	stream.indirect.gather [hbm4b:s4+s25], $0x40, s6, s25, $0xb8;
	[tilespmem:$0x16400] =	vst v63  }
0x6e: {  	_ =	swait.ge [sflag:s29], $0x2000  }
0x6f: {  	s6 =	rddreg [dreg:$0x1c]  }
0x70: {  	[sflag:s29] =	ssyncset.done $0x0;
	s0 =	sshrl.u32 s6, $0x3  }
0x71: {  	[sflag:s29] =	ssyncadd.s32 $0xFFFFE000;
	s2 =	sadd.s32 s26, s0  }
0x72: {  	[hbm4b:s2+s3] =	stream.linear.scatter [tilespmem:s23], [sflag:$0x9], $0x2000, $0x38;
	[tilespmem:$0x16400] =	vst v63  }
0x73: {  	_ =	swait.ge [sflag:s20], $0x2000  }
0x74: {  	[sflag:s20] =	ssyncset.done $0x0  }
0x75: {  	s29 =	simm.s32 $0x680;
	[sflag:s20] =	ssyncadd.s32 $0xFFFFE000  }
0x76: {  	[tilespmem:s9], [sflag:$0x6] =	stream.indirect.gather [hbm4b:s4+s25], $0x40, s29, s25, $0xb8;
	[tilespmem:$0x16400] =	vst v63  }
0x77: {  	_ =	swait.ge [sflag:s5], $0x2000  }
0x78: {  	s0 =	rddreg [dreg:$0x5];
	[sflag:s5] =	ssyncset.done $0x0  }
0x79: {  	[sflag:s5] =	ssyncadd.s32 $0xFFFFE000;
	s2 =	sadd.s32 s26, s0  }
0x7a: {  	[hbm4b:s2+s3] =	stream.linear.scatter [tilespmem:s1], [sflag:$0xA], $0x2000, $0x38;
	[tilespmem:$0x16400] =	vst v63  }
0x7b: {  	_ =	swait.ge [sflag:s21], $0x2000  }
0x7c: {  	[sflag:s21] =	ssyncset.done $0x0  }
0x7d: {  	s29 =	simm.s32 $0x700;
	[sflag:s21] =	ssyncadd.s32 $0xFFFFE000  }
0x7e: {  	[tilespmem:s30], [sflag:$0x7] =	stream.indirect.gather [hbm4b:s4+s25], $0x40, s29, s25, $0xb8;
	[tilespmem:$0x16400] =	vst v63  }
0x7f: {  	_ =	swait.ge [sflag:s8], $0x2000  }
0x80: {  	s0 =	rddreg [dreg:$0x4];
	[sflag:s8] =	ssyncset.done $0x0  }
0x81: {  	[sflag:s8] =	ssyncadd.s32 $0xFFFFE000;
	s2 =	sadd.s32 s26, s0  }
0x82: {  	[hbm4b:s2+s3] =	stream.linear.scatter [tilespmem:s24], [sflag:$0xB], $0x2000, $0x38;
	[tilespmem:$0x16400] =	vst v63  }
0x83: {  	_ =	swait.ge [sflag:s22], $0x2000  }
0x84: {  	[sflag:s22] =	ssyncset.done $0x0  }
0x85: {  	s5 =	simm.s32 $0x780;
	[sflag:s22] =	ssyncadd.s32 $0xFFFFE000  }
0x86: {  	[tilespmem:s31], [sflag:$0x8] =	stream.indirect.gather [hbm4b:s4+s25], $0x40, s5, s25, $0xb8;
	[tilespmem:$0x16400] =	vst v63  }
0x87: {  	_ =	swait.ge [sflag:s10], $0x2000  }
0x88: {  	s29 =	rddreg [dreg:$0x3];
	[sflag:s10] =	ssyncset.done $0x0  }
0x89: {  	[sflag:s10] =	ssyncadd.s32 $0xFFFFE000;
	s2 =	sadd.s32 s26, s29  }
0x8a: {  	[hbm4b:s2+s3] =	stream.linear.scatter [tilespmem:s28], [sflag:$0xC], $0x2000, $0x38;
	[tilespmem:$0x16400] =	vst v63  }
0x8b: {  	_ =	swait.ge [sflag:s11], $0x2000  }
0x8c: {  	[sflag:s11] =	ssyncset.done $0x0  }
0x8d: {  	s31 =	simm.s32 $0x800;
	[sflag:s11] =	ssyncadd.s32 $0xFFFFE000  }
0x8e: {  	[tilespmem:s23], [sflag:$0x1] =	stream.indirect.gather [hbm4b:s4+s25], $0x40, s31, s25, $0xb8;
	[tilespmem:$0x16400] =	vst v63  }
0x8f: {  	_ =	swait.ge [sflag:s12], $0x2000  }
0x90: {  	s0 =	rddreg [dreg:$0x9];
	[sflag:s12] =	ssyncset.done $0x0  }
0x91: {  	[sflag:s12] =	ssyncadd.s32 $0xFFFFE000;
	s2 =	sadd.s32 s26, s0  }
0x92: {  	[hbm4b:s2+s3] =	stream.linear.scatter [tilespmem:s7], [sflag:$0xD], $0x2000, $0x38;
	[tilespmem:$0x16400] =	vst v63  }
0x93: {  	_ =	swait.ge [sflag:s13], $0x2000  }
0x94: {  	[sflag:s13] =	ssyncset.done $0x0  }
0x95: {  	s5 =	simm.s32 $0x880;
	[sflag:s13] =	ssyncadd.s32 $0xFFFFE000  }
0x96: {  	[tilespmem:s1], [sflag:$0x2] =	stream.indirect.gather [hbm4b:s4+s25], $0x40, s5, s25, $0xb8;
	[tilespmem:$0x16400] =	vst v63  }
0x97: {  	_ =	swait.ge [sflag:s14], $0x2000  }
0x98: {  	s7 =	rddreg [dreg:$0x8];
	[sflag:s14] =	ssyncset.done $0x0  }
0x99: {  	[sflag:s14] =	ssyncadd.s32 $0xFFFFE000;
	s2 =	sadd.s32 s26, s7  }
0x9a: {  	[hbm4b:s2+s3] =	stream.linear.scatter [tilespmem:s9], [sflag:$0xE], $0x2000, $0x38;
	[tilespmem:$0x16400] =	vst v63  }
0x9b: {  	_ =	swait.ge [sflag:s15], $0x2000  }
0x9c: {  	[sflag:s15] =	ssyncset.done $0x0  }
0x9d: {  	s23 =	simm.s32 $0x900;
	[sflag:s15] =	ssyncadd.s32 $0xFFFFE000  }
0x9e: {  	[tilespmem:s24], [sflag:$0x3] =	stream.indirect.gather [hbm4b:s4+s25], $0x40, s23, s25, $0xb8;
	[tilespmem:$0x16400] =	vst v63  }
0x9f: {  	_ =	swait.ge [sflag:s16], $0x2000  }
0xa0: {  	s29 =	rddreg [dreg:$0x7];
	[sflag:s16] =	ssyncset.done $0x0  }
0xa1: {  	[sflag:s16] =	ssyncadd.s32 $0xFFFFE000;
	s2 =	sadd.s32 s26, s29  }
0xa2: {  	[hbm4b:s2+s3] =	stream.linear.scatter [tilespmem:s30], [sflag:$0xF], $0x2000, $0x38;
	[tilespmem:$0x16400] =	vst v63  }
0xa3: {  	_ =	swait.ge [sflag:s17], $0x2000  }
0xa4: {  	[sflag:s17] =	ssyncset.done $0x0  }
0xa5: {  	s30 =	simm.s32 $0x980;
	[sflag:s17] =	ssyncadd.s32 $0xFFFFE000  }
0xa6: {  	[tilespmem:s28], [sflag:$0x4] =	stream.indirect.gather [hbm4b:s4+s25], $0x40, s30, s25, $0xb8;
	[tilespmem:$0x16400] =	vst v63  }
0xa7: {  	s24 =	simm.s32 $0x1000;
	s23 =	sadd.s32 $0x10000, s6;
	_ =	swait.ge [sflag:s18], $0x2000  }
0xa8: {  	s6 =	sadd.s32 $0x2000, s26;
	s31 =	rddreg [dreg:$0x6];
	[sflag:s18] =	ssyncset.done $0x0  }
0xa9: {  	s28 =	smov.u32 s26;
	[sflag:s18] =	ssyncadd.s32 $0xFFFFE000;
	s2 =	sadd.s32 s26, s31  }
.LBB2_2:
0xaa: {  	s7 =	simm.s32 $0x14400  }
0xab: {  	[hbm4b:s2+s3] =	stream.linear.scatter [tilespmem:s7], [sflag:$0x10], $0x2000, $0x38;
	[tilespmem:$0x16400] =	vst v63  }
0xac: {  	s0 =	smov.u32 s24;
	_ =	swait.ge [sflag:s19], $0x2000  }
0xad: {  	s9 =	simm.s32 $0xE400;
	s2 =	sshra.s32 s0, $0x2;
	[sflag:s19] =	ssyncset.done $0x0  }
0xae: {  	s0 =	simm.s32 $0x1;
	s26 =	sadd.s32 $0x600, s2;
	[sflag:s19] =	ssyncadd.s32 $0xFFFFE000  }
0xaf: {  	[tilespmem:s9], [sflag:$0x5] =	stream.indirect.gather [hbm4b:s4+s25], $0x40, s26, s25, $0xb8;
	[tilespmem:$0x16400] =	vst v63  }
0xb0: {  	_ =	swait.ge [sflag:s0], $0x2000  }
0xb1: {  	s1 =	sshrl.u32 s23, $0x3;
	[sflag:s0] =	ssyncset.done $0x0  }
0xb2: {  	s26 =	sadd.s32 s28, s1;
	s1 =	simm.s32 $0x6400;
	[sflag:s0] =	ssyncadd.s32 $0xFFFFE000  }
0xb3: {  	[hbm4b:s26+s3] =	stream.linear.scatter [tilespmem:s1], [sflag:$0x9], $0x2000, $0x38;
	[tilespmem:$0x16400] =	vst v63  }
0xb4: {  	_ =	swait.ge [sflag:s20], $0x2000  }
0xb5: {  	s31 =	simm.s32 $0x10400;
	[sflag:s20] =	ssyncset.done $0x0  }
0xb6: {  	s5 =	sadd.s32 $0x680, s2;
	s26 =	simm.s32 $0x2;
	[sflag:s20] =	ssyncadd.s32 $0xFFFFE000  }
0xb7: {  	[tilespmem:s31], [sflag:$0x6] =	stream.indirect.gather [hbm4b:s4+s25], $0x40, s5, s25, $0xb8;
	[tilespmem:$0x16400] =	vst v63  }
0xb8: {  	_ =	swait.ge [sflag:s26], $0x2000  }
0xb9: {  	s5 =	rddreg [dreg:$0x5];
	[sflag:s26] =	ssyncset.done $0x0  }
0xba: {  	s29 =	simm.s32 $0x8400;
	[sflag:s26] =	ssyncadd.s32 $0xFFFFE000;
	s26 =	sadd.s32 s6, s5  }
0xbb: {  	[hbm4b:s26+s3] =	stream.linear.scatter [tilespmem:s29], [sflag:$0xA], $0x2000, $0x38;
	[tilespmem:$0x16400] =	vst v63  }
0xbc: {  	_ =	swait.ge [sflag:s21], $0x2000  }
0xbd: {  	[sflag:s21] =	ssyncset.done $0x0  }
0xbe: {  	s0 =	sadd.s32 $0x700, s2;
	s5 =	simm.s32 $0x12400;
	[sflag:s21] =	ssyncadd.s32 $0xFFFFE000  }
0xbf: {  	[tilespmem:s5], [sflag:$0x7] =	stream.indirect.gather [hbm4b:s4+s25], $0x40, s0, s25, $0xb8;
	[tilespmem:$0x16400] =	vst v63  }
0xc0: {  	_ =	swait.ge [sflag:s8], $0x2000  }
0xc1: {  	s0 =	rddreg [dreg:$0x4];
	[sflag:s8] =	ssyncset.done $0x0  }
0xc2: {  	[sflag:s8] =	ssyncadd.s32 $0xFFFFE000;
	s26 =	sadd.s32 s6, s0;
	s0 =	simm.s32 $0xA400  }
0xc3: {  	[hbm4b:s26+s3] =	stream.linear.scatter [tilespmem:s0], [sflag:$0xB], $0x2000, $0x38;
	[tilespmem:$0x16400] =	vst v63  }
0xc4: {  	_ =	swait.ge [sflag:s22], $0x2000  }
0xc5: {  	[sflag:s22] =	ssyncset.done $0x0  }
0xc6: {  	s26 =	sadd.s32 $0x780, s2;
	[sflag:s22] =	ssyncadd.s32 $0xFFFFE000  }
0xc7: {  	[tilespmem:s7], [sflag:$0x8] =	stream.indirect.gather [hbm4b:s4+s25], $0x40, s26, s25, $0xb8;
	[tilespmem:$0x16400] =	vst v63  }
0xc8: {  	_ =	swait.ge [sflag:s10], $0x2000  }
0xc9: {  	s7 =	rddreg [dreg:$0x3];
	[sflag:s10] =	ssyncset.done $0x0  }
0xca: {  	[sflag:s10] =	ssyncadd.s32 $0xFFFFE000;
	s26 =	sadd.s32 s6, s7;
	s7 =	simm.s32 $0xC400  }
0xcb: {  	[hbm4b:s26+s3] =	stream.linear.scatter [tilespmem:s7], [sflag:$0xC], $0x2000, $0x38;
	[tilespmem:$0x16400] =	vst v63  }
0xcc: {  	_ =	swait.ge [sflag:s11], $0x2000  }
0xcd: {  	[sflag:s11] =	ssyncset.done $0x0  }
0xce: {  	s26 =	sadd.s32 $0x800, s2;
	[sflag:s11] =	ssyncadd.s32 $0xFFFFE000  }
0xcf: {  	[tilespmem:s1], [sflag:$0x1] =	stream.indirect.gather [hbm4b:s4+s25], $0x40, s26, s25, $0xb8;
	[tilespmem:$0x16400] =	vst v63  }
0xd0: {  	_ =	swait.ge [sflag:s12], $0x2000  }
0xd1: {  	s1 =	rddreg [dreg:$0x9];
	[sflag:s12] =	ssyncset.done $0x0  }
0xd2: {  	[sflag:s12] =	ssyncadd.s32 $0xFFFFE000;
	s26 =	sadd.s32 s6, s1  }
0xd3: {  	[hbm4b:s26+s3] =	stream.linear.scatter [tilespmem:s9], [sflag:$0xD], $0x2000, $0x38;
	[tilespmem:$0x16400] =	vst v63  }
0xd4: {  	_ =	swait.ge [sflag:s13], $0x2000  }
0xd5: {  	[sflag:s13] =	ssyncset.done $0x0  }
0xd6: {  	s9 =	sadd.s32 $0x880, s2;
	[sflag:s13] =	ssyncadd.s32 $0xFFFFE000  }
0xd7: {  	[tilespmem:s29], [sflag:$0x2] =	stream.indirect.gather [hbm4b:s4+s25], $0x40, s9, s25, $0xb8;
	[tilespmem:$0x16400] =	vst v63  }
0xd8: {  	_ =	swait.ge [sflag:s14], $0x2000  }
0xd9: {  	s9 =	rddreg [dreg:$0x8];
	[sflag:s14] =	ssyncset.done $0x0  }
0xda: {  	[sflag:s14] =	ssyncadd.s32 $0xFFFFE000;
	s26 =	sadd.s32 s6, s9  }
0xdb: {  	[hbm4b:s26+s3] =	stream.linear.scatter [tilespmem:s31], [sflag:$0xE], $0x2000, $0x38;
	[tilespmem:$0x16400] =	vst v63  }
0xdc: {  	_ =	swait.ge [sflag:s15], $0x2000  }
0xdd: {  	[sflag:s15] =	ssyncset.done $0x0  }
0xde: {  	s31 =	sadd.s32 $0x900, s2;
	[sflag:s15] =	ssyncadd.s32 $0xFFFFE000  }
0xdf: {  	[tilespmem:s0], [sflag:$0x3] =	stream.indirect.gather [hbm4b:s4+s25], $0x40, s31, s25, $0xb8;
	[tilespmem:$0x16400] =	vst v63  }
0xe0: {  	_ =	swait.ge [sflag:s16], $0x2000  }
0xe1: {  	s9 =	rddreg [dreg:$0x7];
	[sflag:s16] =	ssyncset.done $0x0  }
0xe2: {  	[sflag:s16] =	ssyncadd.s32 $0xFFFFE000;
	s26 =	sadd.s32 s6, s9  }
0xe3: {  	[hbm4b:s26+s3] =	stream.linear.scatter [tilespmem:s5], [sflag:$0xF], $0x2000, $0x38;
	[tilespmem:$0x16400] =	vst v63  }
0xe4: {  	p0 =	sne.s32 s24, $0x16000;
	s24 =	sadd.s32 $0x1000, s24;
	_ =	swait.ge [sflag:s17], $0x2000  }
0xe5: {  	s30 =	simm.s32 $0x6400;
	s23 =	sadd.s32 $0x10000, s23;
	[sflag:s17] =	ssyncset.done $0x0  }
.Ltmp0:
0xe6: {  	s2 =	sadd.s32 $0x980, s2;
	[sflag:s17] =	ssyncadd.s32 $0xFFFFE000;
	(pc) =	sbr.rel @p0 .LBB2_2-.Ltmp0, $4  }
0xe7: {  	[tilespmem:s7], [sflag:$0x4] =	stream.indirect.gather [hbm4b:s4+s25], $0x40, s2, s25, $0xb8;
	[tilespmem:$0x16400] =	vst v63  }
0xe8: {  	s1 =	simm.s32 $0x8400;
	s29 =	simm.s32 $0xA400;
	_ =	swait.ge [sflag:s18], $0x2000  }
0xe9: {  	s0 =	simm.s32 $0xC400;
	[sflag:s18] =	ssyncset.done $0x0;
	s31 =	rddreg [dreg:$0x6]  }
0xea: {  	[sflag:s18] =	ssyncadd.s32 $0xFFFFE000;
	s2 =	sadd.s32 s6, s31;
	s6 =	sadd.s32 $0x2000, s6  }
0xeb: {  	s5 =	simm.s32 $0x14400  }
0xec: {  	[hbm4b:s2+s3] =	stream.linear.scatter [tilespmem:s5], [sflag:$0x10], $0x2000, $0x38;
	[tilespmem:$0x16400] =	vst v63  }
0xed: {  	_ =	swait.ge [sflag:s19], $0x2000  }
0xee: {  	s6 =	simm.s32 $0xE400;
	[sflag:s19] =	ssyncset.done $0x0  }
0xef: {  	s26 =	simm.s32 $0x6200;
	s31 =	simm.s32 $0x1;
	[sflag:s19] =	ssyncadd.s32 $0xFFFFE000  }
0xf0: {  	[tilespmem:s6], [sflag:$0x5] =	stream.indirect.gather [hbm4b:s4+s25], $0x40, s26, s25, $0xb8;
	[tilespmem:$0x16400] =	vst v63  }
0xf1: {  	_ =	swait.ge [sflag:s31], $0x2000  }
0xf2: {  	[sflag:s31] =	ssyncset.done $0x0  }
0xf3: {  	s7 =	rddreg [dreg:$0x13];
	[sflag:s31] =	ssyncadd.s32 $0xFFFFE000  }
0xf4: {  	[hbm4b:s7+s3] =	stream.linear.scatter [tilespmem:s30], [sflag:$0x9], $0x2000, $0x38;
	[tilespmem:$0x16400] =	vst v63  }
0xf5: {  	_ =	swait.ge [sflag:s20], $0x2000  }
0xf6: {  	s9 =	simm.s32 $0x6280;
	[sflag:s20] =	ssyncset.done $0x0  }
0xf7: {  	s23 =	simm.s32 $0x2;
	s7 =	simm.s32 $0x10400;
	[sflag:s20] =	ssyncadd.s32 $0xFFFFE000  }
0xf8: {  	[tilespmem:s7], [sflag:$0x6] =	stream.indirect.gather [hbm4b:s4+s25], $0x40, s9, s25, $0xb8;
	[tilespmem:$0x16400] =	vst v63  }
0xf9: {  	_ =	swait.ge [sflag:s23], $0x2000  }
0xfa: {  	[sflag:s23] =	ssyncset.done $0x0  }
0xfb: {  	s24 =	rddreg [dreg:$0x14];
	[sflag:s23] =	ssyncadd.s32 $0xFFFFE000  }
0xfc: {  	[hbm4b:s24+s3] =	stream.linear.scatter [tilespmem:s1], [sflag:$0xA], $0x2000, $0x38;
	[tilespmem:$0x16400] =	vst v63  }
0xfd: {  	_ =	swait.ge [sflag:s21], $0x2000  }
0xfe: {  	[sflag:s21] =	ssyncset.done $0x0  }
0xff: {  	s26 =	simm.s32 $0x6300;
	s1 =	simm.s32 $0x12400;
	[sflag:s21] =	ssyncadd.s32 $0xFFFFE000  }
0x100: {  	[tilespmem:s1], [sflag:$0x7] =	stream.indirect.gather [hbm4b:s4+s25], $0x40, s26, s25, $0xb8;
	[tilespmem:$0x16400] =	vst v63  }
0x101: {  	_ =	swait.ge [sflag:s8], $0x2000  }
0x102: {  	[sflag:s8] =	ssyncset.done $0x0  }
0x103: {  	s30 =	rddreg [dreg:$0x15];
	[sflag:s8] =	ssyncadd.s32 $0xFFFFE000  }
0x104: {  	[hbm4b:s30+s3] =	stream.linear.scatter [tilespmem:s29], [sflag:$0xB], $0x2000, $0x38;
	[tilespmem:$0x16400] =	vst v63  }
0x105: {  	_ =	swait.ge [sflag:s22], $0x2000  }
0x106: {  	[sflag:s22] =	ssyncset.done $0x0  }
0x107: {  	s31 =	simm.s32 $0x6380;
	[sflag:s22] =	ssyncadd.s32 $0xFFFFE000  }
0x108: {  	[tilespmem:s5], [sflag:$0x8] =	stream.indirect.gather [hbm4b:s4+s25], $0x40, s31, s25, $0xb8;
	[tilespmem:$0x16400] =	vst v63  }
0x109: {  	_ =	swait.ge [sflag:s10], $0x2000  }
0x10a: {  	[sflag:s10] =	ssyncset.done $0x0  }
0x10b: {  	s9 =	rddreg [dreg:$0x16];
	[sflag:s10] =	ssyncadd.s32 $0xFFFFE000  }
0x10c: {  	[hbm4b:s9+s3] =	stream.linear.scatter [tilespmem:s0], [sflag:$0xC], $0x2000, $0x38;
	[tilespmem:$0x16400] =	vst v63  }
0x10d: {  	_ =	swait.ge [sflag:s12], $0x2000  }
0x10e: {  	[sflag:s12] =	ssyncset.done $0x0  }
0x10f: {  	s23 =	rddreg [dreg:$0x17];
	[sflag:s12] =	ssyncadd.s32 $0xFFFFE000  }
0x110: {  	[hbm4b:s23+s3] =	stream.linear.scatter [tilespmem:s6], [sflag:$0xD], $0x2000, $0x38;
	[tilespmem:$0x16400] =	vst v63  }
0x111: {  	_ =	swait.ge [sflag:s14], $0x2000  }
0x112: {  	[sflag:s14] =	ssyncset.done $0x0  }
0x113: {  	s24 =	rddreg [dreg:$0x18];
	[sflag:s14] =	ssyncadd.s32 $0xFFFFE000  }
0x114: {  	[hbm4b:s24+s3] =	stream.linear.scatter [tilespmem:s7], [sflag:$0xE], $0x2000, $0x38;
	[tilespmem:$0x16400] =	vst v63  }
0x115: {  	_ =	swait.ge [sflag:s16], $0x2000  }
0x116: {  	[sflag:s16] =	ssyncset.done $0x0  }
0x117: {  	s26 =	rddreg [dreg:$0x19];
	[sflag:s16] =	ssyncadd.s32 $0xFFFFE000  }
0x118: {  	[hbm4b:s26+s3] =	stream.linear.scatter [tilespmem:s1], [sflag:$0xF], $0x2000, $0x38;
	[tilespmem:$0x16400] =	vst v63  }
0x119: {  	_ =	swait.ge [sflag:s18], $0x2000  }
0x11a: {  	[sflag:s18] =	ssyncset.done $0x0  }
0x11b: {  	s29 =	rddreg [dreg:$0x1a];
	[sflag:s18] =	ssyncadd.s32 $0xFFFFE000  }
0x11c: {  	[hbm4b:s29+s3] =	stream.linear.scatter [tilespmem:s5], [sflag:$0x10], $0x2000, $0x38;
	[tilespmem:$0x16400] =	vst v63  }
0x11d: {  	_ =	swait.ge [sflag:s11], $0x2000  }
0x11e: {  	[sflag:s11] =	ssyncset.done $0x0  }
0x11f: {  	[sflag:s11] =	ssyncadd.s32 $0xFFFFE000  }
0x120: {  	_ =	swait.ge [sflag:s13], $0x2000  }
0x121: {  	[sflag:s13] =	ssyncset.done $0x0  }
0x122: {  	[sflag:s13] =	ssyncadd.s32 $0xFFFFE000  }
0x123: {  	_ =	swait.ge [sflag:s15], $0x2000  }
0x124: {  	[sflag:s15] =	ssyncset.done $0x0  }
0x125: {  	[sflag:s15] =	ssyncadd.s32 $0xFFFFE000  }
0x126: {  	_ =	swait.ge [sflag:s17], $0x2000  }
0x127: {  	[sflag:s17] =	ssyncset.done $0x0  }
0x128: {  	[sflag:s17] =	ssyncadd.s32 $0xFFFFE000  }
0x129: {  	_ =	swait.ge [sflag:s19], $0x2000  }
0x12a: {  	[sflag:s19] =	ssyncset.done $0x0  }
0x12b: {  	[sflag:s19] =	ssyncadd.s32 $0xFFFFE000  }
0x12c: {  	_ =	swait.ge [sflag:s20], $0x2000  }
0x12d: {  	[sflag:s20] =	ssyncset.done $0x0  }
0x12e: {  	[sflag:s20] =	ssyncadd.s32 $0xFFFFE000  }
0x12f: {  	_ =	swait.ge [sflag:s21], $0x2000  }
0x130: {  	[sflag:s21] =	ssyncset.done $0x0  }
0x131: {  	[sflag:s21] =	ssyncadd.s32 $0xFFFFE000  }
0x132: {  	_ =	swait.ge [sflag:s22], $0x2000  }
0x133: {  	s30 =	rddreg [dreg:$0x1d]  }
0x134: {  	s31 =	rddreg [dreg:$0x1b];
	s0 =	sadd.s32 $0x1, s30  }
0x135: {  	p0 =	sne.s32 s0, s31  }
.Ltmp1:
0x136: {  	_ = 	snop;
	(pc) =	sbr.rel @p0 .LBB2_1-.Ltmp1, $3  }
0x137: {  	_ =	sdelay $0x1  }
0x138: {  	[sflag:s22] =	ssyncset.done $0x0  }
0x139: {  	s26 =	smov.u32 s28;
	[sflag:s22] =	ssyncadd.s32 $0xFFFFE000  }
0x13a: {  	_ =	sfence.sel $0x180000  }
0x13b: {  	[bflag:$0x0] =	sbarrier.arrive $0xFFFF  }
0x13c: {  	_ =	strace $0x90000047  }
0x13d: {  	s0 =	stileid.u32;
	[bflag:$0x2] =	sbarrier.arrive $0xFFFF  }
0x13e: {  	p0 =	sne.s32 s0, $0x0;
	s0 =	rddreg [dreg:$0x2]  }
0x13f: {  	s0 =	sadd.s32 @!p0 $0x100000, s0  }
0x140: {  	[sflag:s0] =	ssyncadd.tile.s32 @!p0 $0x1;
	_ =	shalt  }
.Lfunc_end2:
_tile_overlayer_lowered:
.L_overlay_start_2:
0x141: {  	(tag) =	ssettag $0x2  }
0x142: {  	s0 =	rddreg [dreg:$0x0];
	s2 =	stileid.u32  }
0x143: {  	s1 =	rddreg [dreg:$0x1];
	p0 =	sne.s32 s2, $0x0  }
0x144: {  	s3 =	rddreg [dreg:$0x2];
	[bflag:$0x3] =	sbarrier.arrive $0xFFFF;
	s2 =	simm.s32 @!p0 $0x1C11  }
0x145: {  	[timem:s3], [sflag:s2] =	dma.local @!p0 [hbm:s0], s1  }
0x146: {  	s0 =	simm.s32 @!p0 $0x11  }
0x147: {  	_ =	swait.ge @!p0 [sflag:s0], s1  }
0x148: {  	s1 =	ssub.s32 @!p0 $0x0, s1;
	[sflag:s0] =	ssyncset.done @!p0 $0x0  }
0x149: {  	[sflag:s0] =	ssyncadd.s32 @!p0 s1  }
0x14a: {  	[bflag:$0x3] =	sbarrier.arrive $0xFFFF  }
0x14b: {  	_ =	shalt  }

// kernel: sparse-core-data-format-call.cloned.1.call-start
scs
called_computation_lowered:
.L_overlay_start_0:
0x0: {  	s2 =	sld [smem:$0x3FD9]  }
0x1: {  	s3 =	sld [smem:$0x3FFE];
	_ =	sdelay $0x1  }
0x2: {  	s1 =	srdreg.scid  }
0x3: {  	s0 =	sand.u32 $0x1, s1  }
0x4: {  	s18 =	sshll.u32 s0, $0xA;
	s2 =	sadd.s32 s3, s2  }
0x5: {  	s2 =	sadd.s32 s2, s18  }
0x6: {  	[smem:$0x3FC0] =	sst s2  }
0x7: {  	_ = 	snop  }
0x8: {  	s2 =	sld [smem:$0x3FD0];
	(tm) =	ssettm $0x1  }
0x9: {  	s19 =	sld [smem:$0x3FFB];
	_ =	sdelay $0x3  }
0xa: {  	_ =	strace s19  }
0xb: {  	s3 =	sld [smem:$0x3FFC];
	_ =	sdelay $0x3  }
0xc: {  	_ =	strace s3  }
0xd: {  	s3 =	sld [smem:$0x3FFD];
	_ =	sdelay $0x3  }
0xe: {  	_ =	strace s3  }
0xf: {  	_ =	strace $0x8FFFFFFF  }
0x10: {  	s20 =	sld [smem:$0x3FDB];
	_ =	sdelay $0x1  }
0x11: {  	s4 =	simm.s32 $_scs_section_size  }
0x12: {  	s5 =	simm.s32 $_size__tile_overlayer_lowered;
	s6 =	simm.s32 $_tile_overlayer_lowered  }
0x13: {  	s23 =	simm.s32 $0x1BFF;
	s22 =	sshll.u32 s6, $0x1;
	s3 =	sadd.s32 s4, s20  }
0x14: {  	s7 =	simm.s32 $0x0;
	s21 =	sshll.u32 s5, $0x1;
	s5 =	sadd.s32 s22, s3  }
0x15: {  	[timem:s7], [sflag:s23] =	dma.local [hbm:s5], s21  }
0x16: {  	_ =	swait.ge [sflag:s23], s21  }
0x17: {  	s4 =	ssub.s32 $0x0, s21;
	[sflag:s23] =	ssyncset.done $0x0  }
0x18: {  	[sflag:s23] =	ssyncadd.s32 s4;
	_ =	sdelay $0x1  }
0x19: {  	s24 =	simm.s32 $0x1B8B  }
0x1a: {  	_ =	swait.ge [sflag:s24], $0x1  }
0x1b: {  	[sflag:s24] =	ssyncset.done $0x0  }
0x1c: {  	s26 =	simm.s32 $0x1B8E;
	s25 =	sld [smem:$0x3FFE];
	[sflag:s24] =	ssyncadd.s32 $0xFFFFFFFF  }
0x1d: {  	s27 =	simm.s32 $execute0_lowered;
	[smem:$0x3FD2] =	sst s26  }
0x1e: {  	s5 =	sshll.u32 s27, $0x1;
	_ =	strace $0x80000049;
	[dreg:$0x1] =	wrdreg $0xFFFFFFFF  }
0x1f: {  	s28 =	simm.s32 $_size_execute0_lowered;
	s3 =	sadd.s32 s3, s5;
	[dreg:$0x0] =	wrdreg $0x0  }
0x20: {  	s5 =	sshll.u32 s28, $0x1;
	[dreg:$0x2] =	wrdreg s3  }
0x21: {  	[dreg:$0x3] =	wrdreg s5  }
0x22: {  	[dreg:$0x4] =	wrdreg $0xC0  }
0x23: {  	_ =	task [dreg:s7], $0x5FFFF  }
0x24: {  	[dreg:$0x1] =	wrdreg $0xFFFFFFFF  }
0x25: {  	[dreg:$0x0] =	wrdreg $0x60  }
0x26: {  	[dreg:$0x2] =	wrdreg s25  }
0x27: {  	[dreg:$0x3] =	wrdreg s2  }
0x28: {  	[dreg:$0x4] =	wrdreg $0x9  }
0x29: {  	_ =	task.clear_ibuf [dreg:s7], $0x5FFFF;
	_ =	strace $0x90000049  }
0x2a: {  	s29 =	simm.s32 $0x9;
	_ =	strace $0x8000004B  }
0x2b: {  	_ =	swait.ge [sflag:s29], $0x1  }
0x2c: {  	[sflag:s29] =	ssyncadd.s32 $0xFFFFFFFF  }
0x2d: {  	_ =	strace $0x9000004B  }
0x2e: {  	_ =	sfence  }
0x2f: {  	s30 =	sld [smem:$0x0];
	_ =	sdelay $0x2  }
0x30: {  	s31 =	sshll.u32 s1, $0xD;
	s1 =	sshrl.u32 s1, $0x2  }
0x31: {  	s3 =	sand.u32 $0x4000, s31;
	s1 =	sadd.s32 s1, s30  }
0x32: {  	s0 =	sor.u32 s3, s0;
	s1 =	sshll.u32 s1, $0x11  }
0x33: {  	s0 =	sor.u32 s1, s0  }
0x34: {  	s0 =	sadd.s32 $0x8F2B, s0  }
0x35: {  	[sflag:s0] =	ssyncadd.remote.s32 $0x1  }
0x36: {  	_ =	sfence.sel $0xFFFF  }
0x37: {  	[dreg:$0x0] =	wrdreg $0xFFFFFFFF;
	(pc) =	sbr.abs _section_cstart, $3  }
0x38: {  	[dreg:$0x1] =	wrdreg $0xFFFFFFFF  }
0x39: {  	_ =	task.clear_ibuf [dreg:s7], $0x2FFFF;
	_ =	strace $0x9FFFFFFF  }
0x3a: {  	(tm) =	ssettm $0x7FFFFFFF  }
0x3b: {  	_ =	shalt  }
tec
execute0_lowered:
.L_overlay_start_1:
0x0: {  	(tag) =	ssettag $0x1  }
0x1: {  	s0 =	srdreg.scid  }
0x2: {  	s1 =	sshll.u32 s0, $0x4  }
0x3: {  	s0 =	stileid.u32;
	s1 =	sand.u32 $0x10, s1  }
0x4: {  	s1 =	sor.u32 s0, s1  }
0x5: {  	s6 =	rddreg [dreg:$0x0];
	s4 =	simm.s32 $0x1;
	s2 =	sshll.u32 s1, $0x7  }
0x6: {  	s7 =	simm.s32 $0x2;
	s12 =	simm.s32 $0x0;
	s1 =	ssub.s32 $0x1000, s2  }
0x7: {  	s8 =	simm.s32 $0x8000;
	s13 =	simm.s32 $0x0;
	s3 =	sand.u32 $0xF80, s1  }
0x8: {  	s9 =	simm.s32 $0x0;
	s5 =	sshrl.u32 s1, $0xC;
	p0 =	sne.s32 s3, $0x0  }
.Ltmp0:
0x9: {  	s1 =	rddreg [dreg:$0x2];
	s4 =	simm.s32 @!p0 $0x0;
	(pc) =	sbr.rel .LBB1_1-.Ltmp0, $4  }
0xa: {  	s11 =	simm.s32 $0x0;
	s3 =	rddreg [dreg:$0x1];
	s5 =	sadd.s32 s4, s5  }
0xb: {  	_ =	strace $0x8000004A;
	s4 =	simm.s32 $0x1;
	s5 =	smul.u32 $0xC8, s5  }
0xc: {  	s6 =	sadd.s32 $0xA00, s6;
	s10 =	smov.u32 s2;
	[sflag:s4] =	ssyncpa.u1 $0x0  }
0xd: {  	p0 =	por $0x0, $0x0;
	[sflag:s7] =	ssyncpa.u1 $0x0;
	s7 =	sor.u32 $0x1, s5  }
.LBB1_4:
0xe: {  	s16 =	sshll.u32 s13, $0x3;
	s17 =	sand.u32 $0x78, s13  }
0xf: {  	s30 =	sand.u32 $0x7E00, s13;
	s12 =	sshll.u32 s12, $0xF;
	s16 =	sand.u32 $0xC00, s16  }
0x10: {  	[tilespmem:s15+$0x810 ss:$0x81] =	vst.msk $0xffff, v2;
	s31 =	sand.u32 $0x7, s13;
	s16 =	sor.u32 s17, s16;
	s17 =	sadd.s32 s3, s30  }
0x11: {  	[tilespmem:s15+$0x1020 ss:$0x81] =	vst.msk $0xffff, v0;
	s13 =	sshll.u32 s31, $0x12;
	s12 =	sadd.s32 s12, s17;
	s16 =	sshrl.u32 s16, $0x3  }
0x12: {  	[tilespmem:s15+$0x0 ss:$0x81] =	vst.msk $0xffff, v1;
	s13 =	sor.u32 $0x400, s13;
	s12 =	sadd.s32 s16, s12  }
0x13: {  	[hbm4b:s12+s13] =	stream.strided.scatter [tilespmem:s14], [sflag:$0x2], $0x2000, s8, s13, $0x20;
	[tilespmem:$0x8080] =	vst v63  }
.LBB1_5:
0x14: {  	s14 =	sadd.s32 $0x1, s9  }
0x15: {  	s12 =	sadd.s32 $0x1000, s10;
	s16 =	smov.u32 s10;
	p2 =	sgt.s32 s14, $0xC7  }
0x16: {  	s16 =	smov.u32 @p2 s12  }
0x17: {  	s14 =	simm.s32 @p2 $0x0;
	p2 =	sgt.s32 s16, $0xFFF  }
0x18: {  	s16 =	smov.u32 @p2 s2;
	p2 =	sne.s32 s11, s7  }
.Ltmp1:
0x19: {  	p1 =	slt.u32 s11, $0x2;
	(pc) =	sbr.rel @!p2 .LBB1_6-.Ltmp1, $4  }
0x1a: {  	s15 =	simm.s32 @!p1 $0x2  }
0x1b: {  	s13 =	smov.u32 s10;
	p0 =	por !p0, !p0;
	_ =	swait.ge @!p1 [sflag:s15], $0x2000  }
0x1c: {  	s12 =	smov.u32 s9;
	[sflag:s15] =	ssyncset.done @!p1 $0x0;
	s9 =	smov.u32 s14  }
0x1d: {  	s11 =	sadd.s32 $0x1, s11;
	[sflag:s15] =	ssyncadd.s32 @!p1 $0xFFFFE000;
	s10 =	smov.u32 s16  }
.LBB1_1:
0x1e: {  	p1 =	sge.u32 s11, s5  }
0x1f: {  	s14 =	sand.u32 @!p1 $0x1FFFFFF, s9  }
0x20: {  	s15 =	smulhi.u32 @!p1 $0x147AE15, s14;
	_ =	sdelay $0x1  }
0x21: {  	s15 =	smul.u32 @!p1 $0xC8, s15  }
0x22: {  	s16 =	sxor.u32 @!p1 $0xFFFFFFFF, s11;
	s17 =	smul.u32 @!p1 $0xC80, s10  }
0x23: {  	s31 =	sadd.s32 $0xFFFFFFFF, s11;
	s16 =	sshll.u32 @!p1 s16, $0xD;
	s14 =	ssub.s32 @!p1 s14, s15  }
0x24: {  	s15 =	sand.u32 @!p1 $0x2000, s16;
	s16 =	sadd.s32 @!p1 s6, s17;
	s14 =	sshll.u32 @!p1 s14, $0x4  }
0x25: {  	s17 =	simm.s32 @!p1 $0x6400;
	s14 =	sadd.s32 @!p1 s14, s16;
	s16 =	simm.s32 @!p1 $0x40  }
0x26: {  	[tilespmem:s15], [sflag:$0x1] =	stream.strided.gather @!p1 [hbm4b:s14+s16], $0x2000, s17, s16, $0x38;
	[tilespmem:$0x8080] =	vst v63  }
0x27: {  	p1 =	sge.u32 s31, s5  }
.Ltmp2:
0x28: {  	_ = 	snop;
	(pc) =	sbr.rel @p1 .LBB1_5-.Ltmp2, $1  }
0x29: {  	_ =	sdelay $0x3  }
0x2a: {  	s14 =	simm.s32 $0x1  }
0x2b: {  	_ =	swait.ge [sflag:s4], $0x2000;
	s14 =	simm.s32 @!p0 $0x0  }
0x2c: {  	[sflag:s4] =	ssyncset.done $0x0;
	s15 =	sshll.u32 s14, $0xD  }
0x2d: {  	[sflag:s4] =	ssyncadd.s32 $0xFFFFE000;
	s18 =	sor.u32 $0x20, s15  }
0x2e: {  	s14 =	smul.u32 $0x8100, s14;
	v3 =	vld [tilespmem:s18+$0x10]  }
0x2f: {  	s30 =	sand.u32 $0x1, s11;
	v2 =	vld [tilespmem:s18+$0xFFFFFFF0]  }
0x30: {  	s15 =	smul.u32 $0x8100, s30;
	s14 =	sshrl.u32 s14, $0x2;
	v0 =	vld [tilespmem:s18+$0x0]  }
0x31: {  	v1 =	vld [tilespmem:s18+$0xFFFFFFE0];
	s16 =	sor.u32 $0x4000, s14  }
0x32: {  	s31 =	sshrl.u32 s15, $0x2;
	s15 =	sadd.s32 $0x0, s16  }
0x33: {  	s17 =	simm.s32 $0x4;
	s18 =	sadd.s32 $0x40, s18;
	s14 =	sor.u32 $0x4000, s31;
	[tilespmem:s15+$0x1830 ss:$0x81] =	vst.msk $0xffff, v3  }
.LBB1_3:
0x34: {  	v3 =	vld [tilespmem:s18+$0x10];
	p1 =	sne.s32 s17, $0x1FC;
	[tilespmem:s15+$0x810 ss:$0x81] =	vst.msk $0xffff, v2;
	s19 =	smov.u32 s17;
	s17 =	sadd.s32 $0x4, s17  }
.Ltmp3:
0x35: {  	v2 =	vld [tilespmem:s18+$0xFFFFFFF0];
	[tilespmem:s15+$0x1020 ss:$0x81] =	vst.msk $0xffff, v0;
	(pc) =	sbr.rel @p1 .LBB1_3-.Ltmp3, $4  }
0x36: {  	v0 =	vld [tilespmem:s18+$0x0];
	[tilespmem:s15+$0x0 ss:$0x81] =	vst.msk $0xffff, v1  }
0x37: {  	s15 =	sshra.s32 s19, $0x2;
	v1 =	vld [tilespmem:s18+$0xFFFFFFE0]  }
0x38: {  	s15 =	sadd.s32 s15, s16  }
0x39: {  	s18 =	sadd.s32 $0x40, s18;
	[tilespmem:s15+$0x1830 ss:$0x81] =	vst.msk $0xffff, v3  }
.Ltmp4:
0x3a: {  	_ = 	snop;
	(pc) =	sbr.rel .LBB1_4-.Ltmp4, $1  }
0x3b: {  	_ =	sdelay $0x3  }
.LBB1_6:
0x3c: {  	_ =	sfence.sel $0x180000  }
0x3d: {  	s2 =	simm.s32 $0x1;
	[bflag:$0x0] =	sbarrier.arrive $0xFFFF  }
0x3e: {  	s31 =	simm.s32 $0x2;
	[sflag:s2] =	ssyncpa.u1 $0x1  }
0x3f: {  	[sflag:s31] =	ssyncpa.u1 $0x1  }
0x40: {  	p0 =	sne.s32 s0, $0x0;
	_ =	strace $0x9000004A  }
0x41: {  	s0 =	sadd.s32 @!p0 $0x100000, s1;
	[bflag:$0x2] =	sbarrier.arrive $0xFFFF  }
0x42: {  	[sflag:s0] =	ssyncadd.tile.s32 @!p0 $0x1;
	_ =	shalt  }
.Lfunc_end1:
_tile_overlayer_lowered:
.L_overlay_start_2:
0x43: {  	(tag) =	ssettag $0x2  }
0x44: {  	s0 =	rddreg [dreg:$0x0];
	s2 =	stileid.u32  }
0x45: {  	s1 =	rddreg [dreg:$0x1];
	p0 =	sne.s32 s2, $0x0  }
0x46: {  	s3 =	rddreg [dreg:$0x2];
	[bflag:$0x3] =	sbarrier.arrive $0xFFFF;
	s2 =	simm.s32 @!p0 $0x1C01  }
0x47: {  	[timem:s3], [sflag:s2] =	dma.local @!p0 [hbm:s0], s1  }
0x48: {  	s0 =	simm.s32 @!p0 $0x1  }
0x49: {  	_ =	swait.ge @!p0 [sflag:s0], s1  }
0x4a: {  	s1 =	ssub.s32 @!p0 $0x0, s1;
	[sflag:s0] =	ssyncset.done @!p0 $0x0  }
0x4b: {  	[sflag:s0] =	ssyncadd.s32 @!p0 s1  }
0x4c: {  	[bflag:$0x3] =	sbarrier.arrive $0xFFFF  }
0x4d: {  	_ =	shalt  }

</sc_bundles>
